<compile_context>
chip_gen: v7x
topology: tpu7x:2x2x1
jax: 0.10.2.dev20260603
libtpu: 0.0.44.dev20260713+nightly
codegen_flags: <defaults>
</compile_context>

<pallas_src>
import jax
import jax.numpy as jnp
from jax import lax
from jax.experimental import pallas as pl
from jax.experimental.pallas import tpu as pltpu
from jax.experimental.pallas import tpu_sc as plsc

_E = 8
_L = 16


_G = 8


def _pool_body(x_ref, wg_ref, logits_ref):
    xg = jnp.mean(x_ref[...], axis=1)
    lg = jnp.dot(xg, wg_ref[...],
                 preferred_element_type=jnp.float32)
    logits_ref[...] = jnp.clip(lg, -50.0, 50.0)[:, None, :]


def _sc_route(logits_hbm, eidx_hbm, gvals_hbm, gates_hbm,
              lg_v, ei_v, gv_v, ga_v):
    info = plsc.get_sparse_core_info()
    wid = lax.axis_index("s") * info.num_cores + lax.axis_index("c")

    @pl.when(wid == 0)
    def _():
        pltpu.sync_copy(logits_hbm, lg_v)
        B = lg_v.shape[1]
        for c in range(B // _L):
            sl = pl.ds(c * _L, _L)
            le = [lg_v[e, sl] for e in range(_E)]
            v0 = le[0]
            for e in range(1, _E):
                v0 = jnp.maximum(v0, le[e])
            e0 = jnp.full((_L,), _E, jnp.int32)
            for e in reversed(range(_E)):
                e0 = jnp.where(le[e] == v0, e, e0)
            neg = jnp.full((_L,), -jnp.inf, jnp.float32)
            m = [jnp.where(e0 == e, neg, le[e]) for e in range(_E)]
            v1 = m[0]
            for e in range(1, _E):
                v1 = jnp.maximum(v1, m[e])
            e1 = jnp.full((_L,), _E, jnp.int32)
            for e in reversed(range(_E)):
                e1 = jnp.where(m[e] == v1, e, e1)
            t = jnp.exp(v1 - v0)
            g0 = 1.0 / (1.0 + t)
            g1 = t / (1.0 + t)
            ei_v[0, sl] = e0
            ei_v[1, sl] = e1
            gv_v[0, sl] = g0
            gv_v[1, sl] = g1
            for e in range(_E):
                ga_v[e, sl] = (jnp.where(e0 == e, g0, 0.0)
                               + jnp.where(e1 == e, g1, 0.0))

        pltpu.sync_copy(ei_v, eidx_hbm)
        pltpu.sync_copy(gv_v, gvals_hbm)
        pltpu.sync_copy(ga_v, gates_hbm)


def _loss_body(gates_ref, loss_ref):
    g = gates_ref[...]
    n = float(_E)
    eps = 1e-10

    def cv_sq(v):
        m = jnp.sum(v) / n
        var = jnp.sum((v - m) ** 2) / (n - 1.0)
        return var / (m * m + eps)

    imp = jnp.sum(g, axis=1, keepdims=True)
    load = jnp.sum((g > 0.0).astype(jnp.float32), axis=1, keepdims=True)
    loss = cv_sq(imp) + cv_sq(load)
    loss_ref[...] = jnp.clip(loss, 0.0, 1000.0) * jnp.ones((1, 1), jnp.float32)


def _expert_body(eidx_ref, gvals_ref, x_ref, W1_ref, b1_ref, W2_ref, b2_ref,
                 y_ref):
    base = pl.program_id(0) * _G

    def expert(xb, e):
        h = jnp.dot(xb, W1_ref[e], preferred_element_type=jnp.float32)
        h = h + b1_ref[e][None, :]
        h = 0.5 * h * (1.0 + jax.lax.erf(h * 0.7071067811865476))
        o = jnp.dot(h, W2_ref[e], preferred_element_type=jnp.float32)
        return o + b2_ref[e][None, :]

    for i in range(_G):
        b = base + i
        xb = x_ref[i]
        e0 = eidx_ref[0, b]
        e1 = eidx_ref[1, b]
        g0 = gvals_ref[0, b]
        g1 = gvals_ref[1, b]
        y_ref[i] = g0 * expert(xb, e0) + g1 * expert(xb, e1)


def kernel(x, w_gate, W1, b1, W2, b2):
    B, H, W, C = x.shape
    T = H * W
    E = w_gate.shape[1]
    x_flat = x.reshape(B, T, C)

    logits = pl.pallas_call(
        _pool_body,
        grid=(B // _G,),
        in_specs=[
            pl.BlockSpec((_G, T, C), lambda b: (b, 0, 0)),
            pl.BlockSpec((C, E), lambda b: (0, 0)),
        ],
        out_specs=pl.BlockSpec((_G, 1, E), lambda b: (b, 0, 0)),
        out_shape=jax.ShapeDtypeStruct((B, 1, E), jnp.float32),
        compiler_params=pltpu.CompilerParams(
            dimension_semantics=("parallel",),
        ),
    )(x_flat, w_gate)

    logits_t = logits.reshape(B, E).T

    mesh = plsc.VectorSubcoreMesh(core_axis_name="c", subcore_axis_name="s")
    route = pl.kernel(
        _sc_route,
        mesh=mesh,
        out_type=[
            jax.ShapeDtypeStruct((2, B), jnp.int32),
            jax.ShapeDtypeStruct((2, B), jnp.float32),
            jax.ShapeDtypeStruct((E, B), jnp.float32),
        ],
        scratch_types=[
            pltpu.VMEM((E, B), jnp.float32),
            pltpu.VMEM((2, B), jnp.int32),
            pltpu.VMEM((2, B), jnp.float32),
            pltpu.VMEM((E, B), jnp.float32),
        ],
    )
    eidx_t, gvals_t, gates_t = route(logits_t)

    y_flat = pl.pallas_call(
        _expert_body,
        grid=(B // _G,),
        in_specs=[
            pl.BlockSpec(memory_space=pltpu.SMEM),
            pl.BlockSpec(memory_space=pltpu.SMEM),
            pl.BlockSpec((_G, T, C), lambda b: (b, 0, 0)),
            pl.BlockSpec(W1.shape, lambda b: (0, 0, 0)),
            pl.BlockSpec(b1.shape, lambda b: (0, 0)),
            pl.BlockSpec(W2.shape, lambda b: (0, 0, 0)),
            pl.BlockSpec(b2.shape, lambda b: (0, 0)),
        ],
        out_specs=pl.BlockSpec((_G, T, C), lambda b: (b, 0, 0)),
        out_shape=jax.ShapeDtypeStruct((B, T, C), jnp.float32),
        compiler_params=pltpu.CompilerParams(
            dimension_semantics=("parallel",),
        ),
    )(eidx_t, gvals_t, x_flat, W1, b1, W2, b2)

    loss = pl.pallas_call(
        _loss_body,
        out_shape=jax.ShapeDtypeStruct((1, 1), jnp.float32),
    )(gates_t)

    return y_flat.reshape(B, H, W, C), loss[0, 0]

# --- scband reference (transcript-rebuilt; emitter-appended) ---
"""Pipeline reference for scband-mlp-mo-elayer-78812649881949 (READ-ONLY COPY).

The authoritative reference and input builder live on the scoring server;
editing this copy changes nothing except your own understanding.
"""

import jax, jax.numpy as jnp
import numpy as np

DIM = 96
E = 8
K = 2
MLP_RATIO = 1
HID = DIM * MLP_RATIO
B, H, W = 32, 32, 32


def setup_inputs(seed: int = 0) -> dict:
    key = jax.random.key(seed)
    ks = jax.random.split(key, 6)
    x = jax.random.normal(ks[0], (B, H, W, DIM), dtype=jnp.float32)
    lim_g = float(np.sqrt(6.0 / (DIM + E)))  # xavier_uniform for w_gate
    w_gate = jax.random.uniform(ks[1], (DIM, E), minval=-lim_g, maxval=lim_g, dtype=jnp.float32)
    s1 = float(np.sqrt(1.0 / DIM))  # torch Linear default init bounds
    W1 = jax.random.uniform(ks[2], (E, DIM, HID), minval=-s1, maxval=s1, dtype=jnp.float32)
    b1 = jax.random.uniform(ks[3], (E, HID), minval=-s1, maxval=s1, dtype=jnp.float32)
    s2 = float(np.sqrt(1.0 / HID))
    W2 = jax.random.uniform(ks[4], (E, HID, DIM), minval=-s2, maxval=s2, dtype=jnp.float32)
    b2 = jax.random.uniform(ks[5], (E, DIM), minval=-s2, maxval=s2, dtype=jnp.float32)
    return {"x": x, "w_gate": w_gate, "W1": W1, "b1": b1, "W2": W2, "b2": b2}


def _cv_squared(v):
    eps = 1e-10
    m = jnp.mean(v)
    var = jnp.var(v, ddof=1)  # torch.var is unbiased by default
    return var / (m * m + eps)


def reference(x, w_gate, W1, b1, W2, b2):
    # Eval-mode semantics: no gating noise, dropout = identity (deterministic path).
    Bx, Hx, Wx, C = x.shape
    x_flat = x.reshape(Bx, Hx * Wx, C)
    x_global = jnp.mean(x, axis=(1, 2))
    # noisy_top_k_gating with train=False
    clean_logits = x_global @ w_gate
    logits = jnp.clip(clean_logits, -50.0, 50.0)
    m = min(K + 1, E)
    top_logits, top_idx = jax.lax.top_k(logits, m)
    top_k_logits = top_logits[:, :K]
    top_k_idx = top_idx[:, :K]
    top_k_gates = jax.nn.softmax(top_k_logits, axis=1)
    gates = jnp.zeros_like(logits).at[jnp.arange(Bx)[:, None], top_k_idx].set(top_k_gates)
    load = jnp.sum(gates > 0, axis=0).astype(jnp.float32)  # _gates_to_load
    importance = jnp.sum(gates, axis=0)
    loss = _cv_squared(importance) + _cv_squared(load)
    loss = jnp.clip(loss, 0.0, 1000.0)  # loss_coef = 1
    # Experts: dense equivalent of the masked per-expert dispatch loop.
    # Because gates[b, e] == 0 for non-selected experts, the gate-weighted dense
    # sum equals the scatter/gather dispatch in the torch forward.
    h = jnp.einsum('btd,edh->ebth', x_flat, W1) + b1[:, None, None, :]
    h = jax.nn.gelu(h, approximate=False)  # torch nn.GELU default = exact erf
    o = jnp.einsum('ebth,ehd->ebtd', h, W2) + b2[:, None, None, :]
    y_flat = jnp.einsum('be,ebtd->btd', gates, o)
    y = y_flat.reshape(Bx, Hx, Wx, C)
    return y, loss


if False:  # reference __main__ guard neutralized (emitter)
    inp = setup_inputs()
    y, loss = reference(**inp)
    print(y.shape, loss)

if __name__ == "__main__":
    import jax
    _d = setup_inputs()
    print(jax.jit(kernel)(*tuple(_d.values())))

</pallas_src>

<mosaic_0001>
#map = affine_map<(d0, d1) -> (0, 0)>
module attributes {stable_mosaic.version = 14 : i64} {
  func.func @_sc_route(%arg0: i32, %arg1: i32, %arg2: memref<8x32xf32, #tpu.memory_space<hbm>>, %arg3: memref<2x32xi32, #tpu.memory_space<hbm>>, %arg4: memref<2x32xf32, #tpu.memory_space<hbm>>, %arg5: memref<8x32xf32, #tpu.memory_space<hbm>>, %arg6: memref<8x32xf32, #tpu.memory_space<vmem>>, %arg7: memref<2x32xi32, #tpu.memory_space<vmem>>, %arg8: memref<2x32xf32, #tpu.memory_space<vmem>>, %arg9: memref<8x32xf32, #tpu.memory_space<vmem>>) attributes {dimension_semantics = [#tpu.dimension_semantics<core_parallel>, #tpu.dimension_semantics<subcore_parallel>], iteration_bounds = array<i64: 2, 16>, scalar_prefetch = 0 : i64, scratch_operands = 4 : i64, tpu.core_type = #tpu.core_type<sc_vector_subcore>, window_params = [{transform_indices = #map}, {transform_indices = #map}, {transform_indices = #map}, {transform_indices = #map}]} {
    %mul3A = arith.constant 2 : i32
    %mul3A_0 = arith.muli %arg1, %mul3A : i32
    %add3A = arith.addi %mul3A_0, %arg0 : i32
    %eq3A = arith.constant 0 : i32
    %eq3A_1 = arith.cmpi eq, %add3A, %eq3A : i32
    %convert_element_type3A = arith.extui %eq3A_1 : i1 to i32
    %cond3A = arith.constant 0 : i32
    %cond3A_2 = arith.cmpi ne, %convert_element_type3A, %cond3A : i32
    scf.if %cond3A_2 {
      "tpu.region"() ({
        %run_scoped3A = tpu.sem_alloc : memref<!tpu.dma_semaphore, #tpu.memory_space<semaphore_mem>>
        tpu.enqueue_dma source(%arg2 : memref<8x32xf32, #tpu.memory_space<hbm>>) target(%arg6 : memref<8x32xf32, #tpu.memory_space<vmem>>) target_semaphore(%run_scoped3A : memref<!tpu.dma_semaphore, #tpu.memory_space<semaphore_mem>>)
        tpu.wait_dma2 semaphore(%run_scoped3A : memref<!tpu.dma_semaphore, #tpu.memory_space<semaphore_mem>>) src(%arg2 : memref<8x32xf32, #tpu.memory_space<hbm>>) dst(%arg6 : memref<8x32xf32, #tpu.memory_space<vmem>>)
        tpu.yield
      }) : () -> ()
      %get3A = arith.constant 0 : i32
      %get3A_3 = arith.index_cast %get3A : i32 to index
      %get3A_4 = arith.constant 0 : index
      %get3A_5 = tpu.vector_load %arg6[%get3A_3, %get3A_4] {strides = array<i32>} : memref<8x32xf32, #tpu.memory_space<vmem>>, vector<1x16xf32>,
      %get3A_6 = vector.shape_cast %get3A_5 : vector<1x16xf32> to vector<16xf32>
      %get3A_7 = arith.constant 1 : i32
      %get3A_8 = arith.index_cast %get3A_7 : i32 to index
      %get3A_9 = arith.constant 0 : index
      %get3A_10 = tpu.vector_load %arg6[%get3A_8, %get3A_9] {strides = array<i32>} : memref<8x32xf32, #tpu.memory_space<vmem>>, vector<1x16xf32>,
      %get3A_11 = vector.shape_cast %get3A_10 : vector<1x16xf32> to vector<16xf32>
      %get3A_12 = arith.constant 2 : i32
      %get3A_13 = arith.index_cast %get3A_12 : i32 to index
      %get3A_14 = arith.constant 0 : index
      %get3A_15 = tpu.vector_load %arg6[%get3A_13, %get3A_14] {strides = array<i32>} : memref<8x32xf32, #tpu.memory_space<vmem>>, vector<1x16xf32>,
      %get3A_16 = vector.shape_cast %get3A_15 : vector<1x16xf32> to vector<16xf32>
      %get3A_17 = arith.constant 3 : i32
      %get3A_18 = arith.index_cast %get3A_17 : i32 to index
      %get3A_19 = arith.constant 0 : index
      %get3A_20 = tpu.vector_load %arg6[%get3A_18, %get3A_19] {strides = array<i32>} : memref<8x32xf32, #tpu.memory_space<vmem>>, vector<1x16xf32>,
      %get3A_21 = vector.shape_cast %get3A_20 : vector<1x16xf32> to vector<16xf32>
      %get3A_22 = arith.constant 4 : i32
      %get3A_23 = arith.index_cast %get3A_22 : i32 to index
      %get3A_24 = arith.constant 0 : index
      %get3A_25 = tpu.vector_load %arg6[%get3A_23, %get3A_24] {strides = array<i32>} : memref<8x32xf32, #tpu.memory_space<vmem>>, vector<1x16xf32>,
      %get3A_26 = vector.shape_cast %get3A_25 : vector<1x16xf32> to vector<16xf32>
      %get3A_27 = arith.constant 5 : i32
      %get3A_28 = arith.index_cast %get3A_27 : i32 to index
      %get3A_29 = arith.constant 0 : index
      %get3A_30 = tpu.vector_load %arg6[%get3A_28, %get3A_29] {strides = array<i32>} : memref<8x32xf32, #tpu.memory_space<vmem>>, vector<1x16xf32>,
      %get3A_31 = vector.shape_cast %get3A_30 : vector<1x16xf32> to vector<16xf32>
      %get3A_32 = arith.constant 6 : i32
      %get3A_33 = arith.index_cast %get3A_32 : i32 to index
      %get3A_34 = arith.constant 0 : index
      %get3A_35 = tpu.vector_load %arg6[%get3A_33, %get3A_34] {strides = array<i32>} : memref<8x32xf32, #tpu.memory_space<vmem>>, vector<1x16xf32>,
      %get3A_36 = vector.shape_cast %get3A_35 : vector<1x16xf32> to vector<16xf32>
      %get3A_37 = arith.constant 7 : i32
      %get3A_38 = arith.index_cast %get3A_37 : i32 to index
      %get3A_39 = arith.constant 0 : index
      %get3A_40 = tpu.vector_load %arg6[%get3A_38, %get3A_39] {strides = array<i32>} : memref<8x32xf32, #tpu.memory_space<vmem>>, vector<1x16xf32>,
      %get3A_41 = vector.shape_cast %get3A_40 : vector<1x16xf32> to vector<16xf32>
      %max3A = arith.maximumf %get3A_6, %get3A_11 : vector<16xf32>
      %max3A_42 = arith.maximumf %max3A, %get3A_16 : vector<16xf32>
      %max3A_43 = arith.maximumf %max3A_42, %get3A_21 : vector<16xf32>
      %max3A_44 = arith.maximumf %max3A_43, %get3A_26 : vector<16xf32>
      %max3A_45 = arith.maximumf %max3A_44, %get3A_31 : vector<16xf32>
      %max3A_46 = arith.maximumf %max3A_45, %get3A_36 : vector<16xf32>
      %max3A_47 = arith.maximumf %max3A_46, %get3A_41 : vector<16xf32>
      %broadcast_in_dim3A = arith.constant 8 : i32
      %broadcast_in_dim3A_48 = vector.broadcast %broadcast_in_dim3A : i32 to vector<16xi32>
      %eq3A_49 = arith.cmpf oeq, %get3A_41, %max3A_47 : vector<16xf32>
      %jit3A = arith.constant 7 : i32
      %broadcast_in_dim3A_50 = vector.broadcast %jit3A : i32 to vector<16xi32>
      %select_n3A = arith.select %eq3A_49, %broadcast_in_dim3A_50, %broadcast_in_dim3A_48 : vector<16xi1>, vector<16xi32>
      %eq3A_51 = arith.cmpf oeq, %get3A_36, %max3A_47 : vector<16xf32>
      %jit3A_52 = arith.constant 6 : i32
      %broadcast_in_dim3A_53 = vector.broadcast %jit3A_52 : i32 to vector<16xi32>
      %select_n3A_54 = arith.select %eq3A_51, %broadcast_in_dim3A_53, %select_n3A : vector<16xi1>, vector<16xi32>
      %eq3A_55 = arith.cmpf oeq, %get3A_31, %max3A_47 : vector<16xf32>
      %jit3A_56 = arith.constant 5 : i32
      %broadcast_in_dim3A_57 = vector.broadcast %jit3A_56 : i32 to vector<16xi32>
      %select_n3A_58 = arith.select %eq3A_55, %broadcast_in_dim3A_57, %select_n3A_54 : vector<16xi1>, vector<16xi32>
      %eq3A_59 = arith.cmpf oeq, %get3A_26, %max3A_47 : vector<16xf32>
      %jit3A_60 = arith.constant 4 : i32
      %broadcast_in_dim3A_61 = vector.broadcast %jit3A_60 : i32 to vector<16xi32>
      %select_n3A_62 = arith.select %eq3A_59, %broadcast_in_dim3A_61, %select_n3A_58 : vector<16xi1>, vector<16xi32>
      %eq3A_63 = arith.cmpf oeq, %get3A_21, %max3A_47 : vector<16xf32>
      %jit3A_64 = arith.constant 3 : i32
      %broadcast_in_dim3A_65 = vector.broadcast %jit3A_64 : i32 to vector<16xi32>
      %select_n3A_66 = arith.select %eq3A_63, %broadcast_in_dim3A_65, %select_n3A_62 : vector<16xi1>, vector<16xi32>
      %eq3A_67 = arith.cmpf oeq, %get3A_16, %max3A_47 : vector<16xf32>
      %jit3A_68 = arith.constant 2 : i32
      %broadcast_in_dim3A_69 = vector.broadcast %jit3A_68 : i32 to vector<16xi32>
      %select_n3A_70 = arith.select %eq3A_67, %broadcast_in_dim3A_69, %select_n3A_66 : vector<16xi1>, vector<16xi32>
      %eq3A_71 = arith.cmpf oeq, %get3A_11, %max3A_47 : vector<16xf32>
      %jit3A_72 = arith.constant 1 : i32
      %broadcast_in_dim3A_73 = vector.broadcast %jit3A_72 : i32 to vector<16xi32>
      %select_n3A_74 = arith.select %eq3A_71, %broadcast_in_dim3A_73, %select_n3A_70 : vector<16xi1>, vector<16xi32>
      %eq3A_75 = arith.cmpf oeq, %get3A_6, %max3A_47 : vector<16xf32>
      %jit3A_76 = arith.constant 0 : i32
      %broadcast_in_dim3A_77 = vector.broadcast %jit3A_76 : i32 to vector<16xi32>
      %select_n3A_78 = arith.select %eq3A_75, %broadcast_in_dim3A_77, %select_n3A_74 : vector<16xi1>, vector<16xi32>
      %broadcast_in_dim3A_79 = arith.constant 0xFF800000 : f32
      %broadcast_in_dim3A_80 = vector.broadcast %broadcast_in_dim3A_79 : f32 to vector<16xf32>
      %eq3A_81 = arith.constant 0 : i32
      %eq3A_82 = vector.broadcast %eq3A_81 : i32 to vector<16xi32>
      %eq3A_83 = arith.cmpi eq, %select_n3A_78, %eq3A_82 : vector<16xi32>
      %select_n3A_84 = arith.select %eq3A_83, %broadcast_in_dim3A_80, %get3A_6 : vector<16xi1>, vector<16xf32>
      %eq3A_85 = arith.constant 1 : i32
      %eq3A_86 = vector.broadcast %eq3A_85 : i32 to vector<16xi32>
      %eq3A_87 = arith.cmpi eq, %select_n3A_78, %eq3A_86 : vector<16xi32>
      %select_n3A_88 = arith.select %eq3A_87, %broadcast_in_dim3A_80, %get3A_11 : vector<16xi1>, vector<16xf32>
      %eq3A_89 = arith.constant 2 : i32
      %eq3A_90 = vector.broadcast %eq3A_89 : i32 to vector<16xi32>
      %eq3A_91 = arith.cmpi eq, %select_n3A_78, %eq3A_90 : vector<16xi32>
      %select_n3A_92 = arith.select %eq3A_91, %broadcast_in_dim3A_80, %get3A_16 : vector<16xi1>, vector<16xf32>
      %eq3A_93 = arith.constant 3 : i32
      %eq3A_94 = vector.broadcast %eq3A_93 : i32 to vector<16xi32>
      %eq3A_95 = arith.cmpi eq, %select_n3A_78, %eq3A_94 : vector<16xi32>
      %select_n3A_96 = arith.select %eq3A_95, %broadcast_in_dim3A_80, %get3A_21 : vector<16xi1>, vector<16xf32>
      %eq3A_97 = arith.constant 4 : i32
      %eq3A_98 = vector.broadcast %eq3A_97 : i32 to vector<16xi32>
      %eq3A_99 = arith.cmpi eq, %select_n3A_78, %eq3A_98 : vector<16xi32>
      %select_n3A_100 = arith.select %eq3A_99, %broadcast_in_dim3A_80, %get3A_26 : vector<16xi1>, vector<16xf32>
      %eq3A_101 = arith.constant 5 : i32
      %eq3A_102 = vector.broadcast %eq3A_101 : i32 to vector<16xi32>
      %eq3A_103 = arith.cmpi eq, %select_n3A_78, %eq3A_102 : vector<16xi32>
      %select_n3A_104 = arith.select %eq3A_103, %broadcast_in_dim3A_80, %get3A_31 : vector<16xi1>, vector<16xf32>
      %eq3A_105 = arith.constant 6 : i32
      %eq3A_106 = vector.broadcast %eq3A_105 : i32 to vector<16xi32>
      %eq3A_107 = arith.cmpi eq, %select_n3A_78, %eq3A_106 : vector<16xi32>
      %select_n3A_108 = arith.select %eq3A_107, %broadcast_in_dim3A_80, %get3A_36 : vector<16xi1>, vector<16xf32>
      %eq3A_109 = arith.constant 7 : i32
      %eq3A_110 = vector.broadcast %eq3A_109 : i32 to vector<16xi32>
      %eq3A_111 = arith.cmpi eq, %select_n3A_78, %eq3A_110 : vector<16xi32>
      %select_n3A_112 = arith.select %eq3A_111, %broadcast_in_dim3A_80, %get3A_41 : vector<16xi1>, vector<16xf32>
      %max3A_113 = arith.maximumf %select_n3A_84, %select_n3A_88 : vector<16xf32>
      %max3A_114 = arith.maximumf %max3A_113, %select_n3A_92 : vector<16xf32>
      %max3A_115 = arith.maximumf %max3A_114, %select_n3A_96 : vector<16xf32>
      %max3A_116 = arith.maximumf %max3A_115, %select_n3A_100 : vector<16xf32>
      %max3A_117 = arith.maximumf %max3A_116, %select_n3A_104 : vector<16xf32>
      %max3A_118 = arith.maximumf %max3A_117, %select_n3A_108 : vector<16xf32>
      %max3A_119 = arith.maximumf %max3A_118, %select_n3A_112 : vector<16xf32>
      %broadcast_in_dim3A_120 = arith.constant 8 : i32
      %broadcast_in_dim3A_121 = vector.broadcast %broadcast_in_dim3A_120 : i32 to vector<16xi32>
      %eq3A_122 = arith.cmpf oeq, %select_n3A_112, %max3A_119 : vector<16xf32>
      %jit3A_123 = arith.constant 7 : i32
      %broadcast_in_dim3A_124 = vector.broadcast %jit3A_123 : i32 to vector<16xi32>
      %select_n3A_125 = arith.select %eq3A_122, %broadcast_in_dim3A_124, %broadcast_in_dim3A_121 : vector<16xi1>, vector<16xi32>
      %eq3A_126 = arith.cmpf oeq, %select_n3A_108, %max3A_119 : vector<16xf32>
      %jit3A_127 = arith.constant 6 : i32
      %broadcast_in_dim3A_128 = vector.broadcast %jit3A_127 : i32 to vector<16xi32>
      %select_n3A_129 = arith.select %eq3A_126, %broadcast_in_dim3A_128, %select_n3A_125 : vector<16xi1>, vector<16xi32>
      %eq3A_130 = arith.cmpf oeq, %select_n3A_104, %max3A_119 : vector<16xf32>
      %jit3A_131 = arith.constant 5 : i32
      %broadcast_in_dim3A_132 = vector.broadcast %jit3A_131 : i32 to vector<16xi32>
      %select_n3A_133 = arith.select %eq3A_130, %broadcast_in_dim3A_132, %select_n3A_129 : vector<16xi1>, vector<16xi32>
      %eq3A_134 = arith.cmpf oeq, %select_n3A_100, %max3A_119 : vector<16xf32>
      %jit3A_135 = arith.constant 4 : i32
      %broadcast_in_dim3A_136 = vector.broadcast %jit3A_135 : i32 to vector<16xi32>
      %select_n3A_137 = arith.select %eq3A_134, %broadcast_in_dim3A_136, %select_n3A_133 : vector<16xi1>, vector<16xi32>
      %eq3A_138 = arith.cmpf oeq, %select_n3A_96, %max3A_119 : vector<16xf32>
      %jit3A_139 = arith.constant 3 : i32
      %broadcast_in_dim3A_140 = vector.broadcast %jit3A_139 : i32 to vector<16xi32>
      %select_n3A_141 = arith.select %eq3A_138, %broadcast_in_dim3A_140, %select_n3A_137 : vector<16xi1>, vector<16xi32>
      %eq3A_142 = arith.cmpf oeq, %select_n3A_92, %max3A_119 : vector<16xf32>
      %jit3A_143 = arith.constant 2 : i32
      %broadcast_in_dim3A_144 = vector.broadcast %jit3A_143 : i32 to vector<16xi32>
      %select_n3A_145 = arith.select %eq3A_142, %broadcast_in_dim3A_144, %select_n3A_141 : vector<16xi1>, vector<16xi32>
      %eq3A_146 = arith.cmpf oeq, %select_n3A_88, %max3A_119 : vector<16xf32>
      %jit3A_147 = arith.constant 1 : i32
      %broadcast_in_dim3A_148 = vector.broadcast %jit3A_147 : i32 to vector<16xi32>
      %select_n3A_149 = arith.select %eq3A_146, %broadcast_in_dim3A_148, %select_n3A_145 : vector<16xi1>, vector<16xi32>
      %eq3A_150 = arith.cmpf oeq, %select_n3A_84, %max3A_119 : vector<16xf32>
      %jit3A_151 = arith.constant 0 : i32
      %broadcast_in_dim3A_152 = vector.broadcast %jit3A_151 : i32 to vector<16xi32>
      %select_n3A_153 = arith.select %eq3A_150, %broadcast_in_dim3A_152, %select_n3A_149 : vector<16xi1>, vector<16xi32>
      %sub3A = arith.subf %max3A_119, %max3A_47 : vector<16xf32>
      %exp3A = math.exp %sub3A : vector<16xf32>
      %add3A_154 = arith.constant 1.000000e+00 : f32
      %add3A_155 = vector.broadcast %add3A_154 : f32 to vector<16xf32>
      %add3A_156 = arith.addf %add3A_155, %exp3A : vector<16xf32>
      %div3A = arith.constant 1.000000e+00 : f32
      %div3A_157 = vector.broadcast %div3A : f32 to vector<16xf32>
      %div3A_158 = arith.divf %div3A_157, %add3A_156 : vector<16xf32>
      %add3A_159 = arith.constant 1.000000e+00 : f32
      %add3A_160 = vector.broadcast %add3A_159 : f32 to vector<16xf32>
      %add3A_161 = arith.addf %add3A_160, %exp3A : vector<16xf32>
      %div3A_162 = arith.divf %exp3A, %add3A_161 : vector<16xf32>
      %swap3A = arith.constant 0 : i32
      %swap3A_163 = arith.index_cast %swap3A : i32 to index
      %swap3A_164 = arith.constant 0 : index
      %swap3A_165 = tpu.vector_load %arg7[%swap3A_163, %swap3A_164] {strides = array<i32>} : memref<2x32xi32, #tpu.memory_space<vmem>>, vector<1x16xi32>,
      %swap3A_166 = vector.shape_cast %swap3A_165 : vector<1x16xi32> to vector<16xi32>
      %swap3A_167 = vector.shape_cast %select_n3A_78 : vector<16xi32> to vector<1x16xi32>
      tpu.vector_store %arg7[%swap3A_163, %swap3A_164], %swap3A_167 {strides = array<i32>} : memref<2x32xi32, #tpu.memory_space<vmem>>, vector<1x16xi32>,
      %swap3A_168 = arith.constant 1 : i32
      %swap3A_169 = arith.index_cast %swap3A_168 : i32 to index
      %swap3A_170 = arith.constant 0 : index
      %swap3A_171 = tpu.vector_load %arg7[%swap3A_169, %swap3A_170] {strides = array<i32>} : memref<2x32xi32, #tpu.memory_space<vmem>>, vector<1x16xi32>,
      %swap3A_172 = vector.shape_cast %swap3A_171 : vector<1x16xi32> to vector<16xi32>
      %swap3A_173 = vector.shape_cast %select_n3A_153 : vector<16xi32> to vector<1x16xi32>
      tpu.vector_store %arg7[%swap3A_169, %swap3A_170], %swap3A_173 {strides = array<i32>} : memref<2x32xi32, #tpu.memory_space<vmem>>, vector<1x16xi32>,
      %swap3A_174 = arith.constant 0 : i32
      %swap3A_175 = arith.index_cast %swap3A_174 : i32 to index
      %swap3A_176 = arith.constant 0 : index
      %swap3A_177 = tpu.vector_load %arg8[%swap3A_175, %swap3A_176] {strides = array<i32>} : memref<2x32xf32, #tpu.memory_space<vmem>>, vector<1x16xf32>,
      %swap3A_178 = vector.shape_cast %swap3A_177 : vector<1x16xf32> to vector<16xf32>
      %swap3A_179 = vector.shape_cast %div3A_158 : vector<16xf32> to vector<1x16xf32>
      tpu.vector_store %arg8[%swap3A_175, %swap3A_176], %swap3A_179 {strides = array<i32>} : memref<2x32xf32, #tpu.memory_space<vmem>>, vector<1x16xf32>,
      %swap3A_180 = arith.constant 1 : i32
      %swap3A_181 = arith.index_cast %swap3A_180 : i32 to index
      %swap3A_182 = arith.constant 0 : index
      %swap3A_183 = tpu.vector_load %arg8[%swap3A_181, %swap3A_182] {strides = array<i32>} : memref<2x32xf32, #tpu.memory_space<vmem>>, vector<1x16xf32>,
      %swap3A_184 = vector.shape_cast %swap3A_183 : vector<1x16xf32> to vector<16xf32>
      %swap3A_185 = vector.shape_cast %div3A_162 : vector<16xf32> to vector<1x16xf32>
      tpu.vector_store %arg8[%swap3A_181, %swap3A_182], %swap3A_185 {strides = array<i32>} : memref<2x32xf32, #tpu.memory_space<vmem>>, vector<1x16xf32>,
      %eq3A_186 = arith.constant 0 : i32
      %eq3A_187 = vector.broadcast %eq3A_186 : i32 to vector<16xi32>
      %eq3A_188 = arith.cmpi eq, %select_n3A_78, %eq3A_187 : vector<16xi32>
      %jit3A_189 = arith.constant 0.000000e+00 : f32
      %broadcast_in_dim3A_190 = vector.broadcast %jit3A_189 : f32 to vector<16xf32>
      %select_n3A_191 = arith.select %eq3A_188, %div3A_158, %broadcast_in_dim3A_190 : vector<16xi1>, vector<16xf32>
      %eq3A_192 = arith.constant 0 : i32
      %eq3A_193 = vector.broadcast %eq3A_192 : i32 to vector<16xi32>
      %eq3A_194 = arith.cmpi eq, %select_n3A_153, %eq3A_193 : vector<16xi32>
      %jit3A_195 = arith.constant 0.000000e+00 : f32
      %broadcast_in_dim3A_196 = vector.broadcast %jit3A_195 : f32 to vector<16xf32>
      %select_n3A_197 = arith.select %eq3A_194, %div3A_162, %broadcast_in_dim3A_196 : vector<16xi1>, vector<16xf32>
      %add3A_198 = arith.addf %select_n3A_191, %select_n3A_197 : vector<16xf32>
      %swap3A_199 = arith.constant 0 : i32
      %swap3A_200 = arith.index_cast %swap3A_199 : i32 to index
      %swap3A_201 = arith.constant 0 : index
      %swap3A_202 = tpu.vector_load %arg9[%swap3A_200, %swap3A_201] {strides = array<i32>} : memref<8x32xf32, #tpu.memory_space<vmem>>, vector<1x16xf32>,
      %swap3A_203 = vector.shape_cast %swap3A_202 : vector<1x16xf32> to vector<16xf32>
      %swap3A_204 = vector.shape_cast %add3A_198 : vector<16xf32> to vector<1x16xf32>
      tpu.vector_store %arg9[%swap3A_200, %swap3A_201], %swap3A_204 {strides = array<i32>} : memref<8x32xf32, #tpu.memory_space<vmem>>, vector<1x16xf32>,
      %eq3A_205 = arith.constant 1 : i32
      %eq3A_206 = vector.broadcast %eq3A_205 : i32 to vector<16xi32>
      %eq3A_207 = arith.cmpi eq, %select_n3A_78, %eq3A_206 : vector<16xi32>
      %jit3A_208 = arith.constant 0.000000e+00 : f32
      %broadcast_in_dim3A_209 = vector.broadcast %jit3A_208 : f32 to vector<16xf32>
      %select_n3A_210 = arith.select %eq3A_207, %div3A_158, %broadcast_in_dim3A_209 : vector<16xi1>, vector<16xf32>
      %eq3A_211 = arith.constant 1 : i32
      %eq3A_212 = vector.broadcast %eq3A_211 : i32 to vector<16xi32>
      %eq3A_213 = arith.cmpi eq, %select_n3A_153, %eq3A_212 : vector<16xi32>
      %jit3A_214 = arith.constant 0.000000e+00 : f32
      %broadcast_in_dim3A_215 = vector.broadcast %jit3A_214 : f32 to vector<16xf32>
      %select_n3A_216 = arith.select %eq3A_213, %div3A_162, %broadcast_in_dim3A_215 : vector<16xi1>, vector<16xf32>
      %add3A_217 = arith.addf %select_n3A_210, %select_n3A_216 : vector<16xf32>
      %swap3A_218 = arith.constant 1 : i32
      %swap3A_219 = arith.index_cast %swap3A_218 : i32 to index
      %swap3A_220 = arith.constant 0 : index
      %swap3A_221 = tpu.vector_load %arg9[%swap3A_219, %swap3A_220] {strides = array<i32>} : memref<8x32xf32, #tpu.memory_space<vmem>>, vector<1x16xf32>,
      %swap3A_222 = vector.shape_cast %swap3A_221 : vector<1x16xf32> to vector<16xf32>
      %swap3A_223 = vector.shape_cast %add3A_217 : vector<16xf32> to vector<1x16xf32>
      tpu.vector_store %arg9[%swap3A_219, %swap3A_220], %swap3A_223 {strides = array<i32>} : memref<8x32xf32, #tpu.memory_space<vmem>>, vector<1x16xf32>,
      %eq3A_224 = arith.constant 2 : i32
      %eq3A_225 = vector.broadcast %eq3A_224 : i32 to vector<16xi32>
      %eq3A_226 = arith.cmpi eq, %select_n3A_78, %eq3A_225 : vector<16xi32>
      %jit3A_227 = arith.constant 0.000000e+00 : f32
      %broadcast_in_dim3A_228 = vector.broadcast %jit3A_227 : f32 to vector<16xf32>
      %select_n3A_229 = arith.select %eq3A_226, %div3A_158, %broadcast_in_dim3A_228 : vector<16xi1>, vector<16xf32>
      %eq3A_230 = arith.constant 2 : i32
      %eq3A_231 = vector.broadcast %eq3A_230 : i32 to vector<16xi32>
      %eq3A_232 = arith.cmpi eq, %select_n3A_153, %eq3A_231 : vector<16xi32>
      %jit3A_233 = arith.constant 0.000000e+00 : f32
      %broadcast_in_dim3A_234 = vector.broadcast %jit3A_233 : f32 to vector<16xf32>
      %select_n3A_235 = arith.select %eq3A_232, %div3A_162, %broadcast_in_dim3A_234 : vector<16xi1>, vector<16xf32>
      %add3A_236 = arith.addf %select_n3A_229, %select_n3A_235 : vector<16xf32>
      %swap3A_237 = arith.constant 2 : i32
      %swap3A_238 = arith.index_cast %swap3A_237 : i32 to index
      %swap3A_239 = arith.constant 0 : index
      %swap3A_240 = tpu.vector_load %arg9[%swap3A_238, %swap3A_239] {strides = array<i32>} : memref<8x32xf32, #tpu.memory_space<vmem>>, vector<1x16xf32>,
      %swap3A_241 = vector.shape_cast %swap3A_240 : vector<1x16xf32> to vector<16xf32>
      %swap3A_242 = vector.shape_cast %add3A_236 : vector<16xf32> to vector<1x16xf32>
      tpu.vector_store %arg9[%swap3A_238, %swap3A_239], %swap3A_242 {strides = array<i32>} : memref<8x32xf32, #tpu.memory_space<vmem>>, vector<1x16xf32>,
      %eq3A_243 = arith.constant 3 : i32
      %eq3A_244 = vector.broadcast %eq3A_243 : i32 to vector<16xi32>
      %eq3A_245 = arith.cmpi eq, %select_n3A_78, %eq3A_244 : vector<16xi32>
      %jit3A_246 = arith.constant 0.000000e+00 : f32
      %broadcast_in_dim3A_247 = vector.broadcast %jit3A_246 : f32 to vector<16xf32>
      %select_n3A_248 = arith.select %eq3A_245, %div3A_158, %broadcast_in_dim3A_247 : vector<16xi1>, vector<16xf32>
      %eq3A_249 = arith.constant 3 : i32
      %eq3A_250 = vector.broadcast %eq3A_249 : i32 to vector<16xi32>
      %eq3A_251 = arith.cmpi eq, %select_n3A_153, %eq3A_250 : vector<16xi32>
      %jit3A_252 = arith.constant 0.000000e+00 : f32
      %broadcast_in_dim3A_253 = vector.broadcast %jit3A_252 : f32 to vector<16xf32>
      %select_n3A_254 = arith.select %eq3A_251, %div3A_162, %broadcast_in_dim3A_253 : vector<16xi1>, vector<16xf32>
      %add3A_255 = arith.addf %select_n3A_248, %select_n3A_254 : vector<16xf32>
      %swap3A_256 = arith.constant 3 : i32
      %swap3A_257 = arith.index_cast %swap3A_256 : i32 to index
      %swap3A_258 = arith.constant 0 : index
      %swap3A_259 = tpu.vector_load %arg9[%swap3A_257, %swap3A_258] {strides = array<i32>} : memref<8x32xf32, #tpu.memory_space<vmem>>, vector<1x16xf32>,
      %swap3A_260 = vector.shape_cast %swap3A_259 : vector<1x16xf32> to vector<16xf32>
      %swap3A_261 = vector.shape_cast %add3A_255 : vector<16xf32> to vector<1x16xf32>
      tpu.vector_store %arg9[%swap3A_257, %swap3A_258], %swap3A_261 {strides = array<i32>} : memref<8x32xf32, #tpu.memory_space<vmem>>, vector<1x16xf32>,
      %eq3A_262 = arith.constant 4 : i32
      %eq3A_263 = vector.broadcast %eq3A_262 : i32 to vector<16xi32>
      %eq3A_264 = arith.cmpi eq, %select_n3A_78, %eq3A_263 : vector<16xi32>
      %jit3A_265 = arith.constant 0.000000e+00 : f32
      %broadcast_in_dim3A_266 = vector.broadcast %jit3A_265 : f32 to vector<16xf32>
      %select_n3A_267 = arith.select %eq3A_264, %div3A_158, %broadcast_in_dim3A_266 : vector<16xi1>, vector<16xf32>
      %eq3A_268 = arith.constant 4 : i32
      %eq3A_269 = vector.broadcast %eq3A_268 : i32 to vector<16xi32>
      %eq3A_270 = arith.cmpi eq, %select_n3A_153, %eq3A_269 : vector<16xi32>
      %jit3A_271 = arith.constant 0.000000e+00 : f32
      %broadcast_in_dim3A_272 = vector.broadcast %jit3A_271 : f32 to vector<16xf32>
      %select_n3A_273 = arith.select %eq3A_270, %div3A_162, %broadcast_in_dim3A_272 : vector<16xi1>, vector<16xf32>
      %add3A_274 = arith.addf %select_n3A_267, %select_n3A_273 : vector<16xf32>
      %swap3A_275 = arith.constant 4 : i32
      %swap3A_276 = arith.index_cast %swap3A_275 : i32 to index
      %swap3A_277 = arith.constant 0 : index
      %swap3A_278 = tpu.vector_load %arg9[%swap3A_276, %swap3A_277] {strides = array<i32>} : memref<8x32xf32, #tpu.memory_space<vmem>>, vector<1x16xf32>,
      %swap3A_279 = vector.shape_cast %swap3A_278 : vector<1x16xf32> to vector<16xf32>
      %swap3A_280 = vector.shape_cast %add3A_274 : vector<16xf32> to vector<1x16xf32>
      tpu.vector_store %arg9[%swap3A_276, %swap3A_277], %swap3A_280 {strides = array<i32>} : memref<8x32xf32, #tpu.memory_space<vmem>>, vector<1x16xf32>,
      %eq3A_281 = arith.constant 5 : i32
      %eq3A_282 = vector.broadcast %eq3A_281 : i32 to vector<16xi32>
      %eq3A_283 = arith.cmpi eq, %select_n3A_78, %eq3A_282 : vector<16xi32>
      %jit3A_284 = arith.constant 0.000000e+00 : f32
      %broadcast_in_dim3A_285 = vector.broadcast %jit3A_284 : f32 to vector<16xf32>
      %select_n3A_286 = arith.select %eq3A_283, %div3A_158, %broadcast_in_dim3A_285 : vector<16xi1>, vector<16xf32>
      %eq3A_287 = arith.constant 5 : i32
      %eq3A_288 = vector.broadcast %eq3A_287 : i32 to vector<16xi32>
      %eq3A_289 = arith.cmpi eq, %select_n3A_153, %eq3A_288 : vector<16xi32>
      %jit3A_290 = arith.constant 0.000000e+00 : f32
      %broadcast_in_dim3A_291 = vector.broadcast %jit3A_290 : f32 to vector<16xf32>
      %select_n3A_292 = arith.select %eq3A_289, %div3A_162, %broadcast_in_dim3A_291 : vector<16xi1>, vector<16xf32>
      %add3A_293 = arith.addf %select_n3A_286, %select_n3A_292 : vector<16xf32>
      %swap3A_294 = arith.constant 5 : i32
      %swap3A_295 = arith.index_cast %swap3A_294 : i32 to index
      %swap3A_296 = arith.constant 0 : index
      %swap3A_297 = tpu.vector_load %arg9[%swap3A_295, %swap3A_296] {strides = array<i32>} : memref<8x32xf32, #tpu.memory_space<vmem>>, vector<1x16xf32>,
      %swap3A_298 = vector.shape_cast %swap3A_297 : vector<1x16xf32> to vector<16xf32>
      %swap3A_299 = vector.shape_cast %add3A_293 : vector<16xf32> to vector<1x16xf32>
      tpu.vector_store %arg9[%swap3A_295, %swap3A_296], %swap3A_299 {strides = array<i32>} : memref<8x32xf32, #tpu.memory_space<vmem>>, vector<1x16xf32>,
      %eq3A_300 = arith.constant 6 : i32
      %eq3A_301 = vector.broadcast %eq3A_300 : i32 to vector<16xi32>
      %eq3A_302 = arith.cmpi eq, %select_n3A_78, %eq3A_301 : vector<16xi32>
      %jit3A_303 = arith.constant 0.000000e+00 : f32
      %broadcast_in_dim3A_304 = vector.broadcast %jit3A_303 : f32 to vector<16xf32>
      %select_n3A_305 = arith.select %eq3A_302, %div3A_158, %broadcast_in_dim3A_304 : vector<16xi1>, vector<16xf32>
      %eq3A_306 = arith.constant 6 : i32
      %eq3A_307 = vector.broadcast %eq3A_306 : i32 to vector<16xi32>
      %eq3A_308 = arith.cmpi eq, %select_n3A_153, %eq3A_307 : vector<16xi32>
      %jit3A_309 = arith.constant 0.000000e+00 : f32
      %broadcast_in_dim3A_310 = vector.broadcast %jit3A_309 : f32 to vector<16xf32>
      %select_n3A_311 = arith.select %eq3A_308, %div3A_162, %broadcast_in_dim3A_310 : vector<16xi1>, vector<16xf32>
      %add3A_312 = arith.addf %select_n3A_305, %select_n3A_311 : vector<16xf32>
      %swap3A_313 = arith.constant 6 : i32
      %swap3A_314 = arith.index_cast %swap3A_313 : i32 to index
      %swap3A_315 = arith.constant 0 : index
      %swap3A_316 = tpu.vector_load %arg9[%swap3A_314, %swap3A_315] {strides = array<i32>} : memref<8x32xf32, #tpu.memory_space<vmem>>, vector<1x16xf32>,
      %swap3A_317 = vector.shape_cast %swap3A_316 : vector<1x16xf32> to vector<16xf32>
      %swap3A_318 = vector.shape_cast %add3A_312 : vector<16xf32> to vector<1x16xf32>
      tpu.vector_store %arg9[%swap3A_314, %swap3A_315], %swap3A_318 {strides = array<i32>} : memref<8x32xf32, #tpu.memory_space<vmem>>, vector<1x16xf32>,
      %eq3A_319 = arith.constant 7 : i32
      %eq3A_320 = vector.broadcast %eq3A_319 : i32 to vector<16xi32>
      %eq3A_321 = arith.cmpi eq, %select_n3A_78, %eq3A_320 : vector<16xi32>
      %jit3A_322 = arith.constant 0.000000e+00 : f32
      %broadcast_in_dim3A_323 = vector.broadcast %jit3A_322 : f32 to vector<16xf32>
      %select_n3A_324 = arith.select %eq3A_321, %div3A_158, %broadcast_in_dim3A_323 : vector<16xi1>, vector<16xf32>
      %eq3A_325 = arith.constant 7 : i32
      %eq3A_326 = vector.broadcast %eq3A_325 : i32 to vector<16xi32>
      %eq3A_327 = arith.cmpi eq, %select_n3A_153, %eq3A_326 : vector<16xi32>
      %jit3A_328 = arith.constant 0.000000e+00 : f32
      %broadcast_in_dim3A_329 = vector.broadcast %jit3A_328 : f32 to vector<16xf32>
      %select_n3A_330 = arith.select %eq3A_327, %div3A_162, %broadcast_in_dim3A_329 : vector<16xi1>, vector<16xf32>
      %add3A_331 = arith.addf %select_n3A_324, %select_n3A_330 : vector<16xf32>
      %swap3A_332 = arith.constant 7 : i32
      %swap3A_333 = arith.index_cast %swap3A_332 : i32 to index
      %swap3A_334 = arith.constant 0 : index
      %swap3A_335 = tpu.vector_load %arg9[%swap3A_333, %swap3A_334] {strides = array<i32>} : memref<8x32xf32, #tpu.memory_space<vmem>>, vector<1x16xf32>,
      %swap3A_336 = vector.shape_cast %swap3A_335 : vector<1x16xf32> to vector<16xf32>
      %swap3A_337 = vector.shape_cast %add3A_331 : vector<16xf32> to vector<1x16xf32>
      tpu.vector_store %arg9[%swap3A_333, %swap3A_334], %swap3A_337 {strides = array<i32>} : memref<8x32xf32, #tpu.memory_space<vmem>>, vector<1x16xf32>,
      %get3A_338 = arith.constant 0 : i32
      %get3A_339 = arith.index_cast %get3A_338 : i32 to index
      %get3A_340 = arith.constant 16 : index
      %get3A_341 = tpu.vector_load %arg6[%get3A_339, %get3A_340] {strides = array<i32>} : memref<8x32xf32, #tpu.memory_space<vmem>>, vector<1x16xf32>,
      %get3A_342 = vector.shape_cast %get3A_341 : vector<1x16xf32> to vector<16xf32>
      %get3A_343 = arith.constant 1 : i32
      %get3A_344 = arith.index_cast %get3A_343 : i32 to index
      %get3A_345 = arith.constant 16 : index
      %get3A_346 = tpu.vector_load %arg6[%get3A_344, %get3A_345] {strides = array<i32>} : memref<8x32xf32, #tpu.memory_space<vmem>>, vector<1x16xf32>,
      %get3A_347 = vector.shape_cast %get3A_346 : vector<1x16xf32> to vector<16xf32>
      %get3A_348 = arith.constant 2 : i32
      %get3A_349 = arith.index_cast %get3A_348 : i32 to index
      %get3A_350 = arith.constant 16 : index
      %get3A_351 = tpu.vector_load %arg6[%get3A_349, %get3A_350] {strides = array<i32>} : memref<8x32xf32, #tpu.memory_space<vmem>>, vector<1x16xf32>,
      %get3A_352 = vector.shape_cast %get3A_351 : vector<1x16xf32> to vector<16xf32>
      %get3A_353 = arith.constant 3 : i32
      %get3A_354 = arith.index_cast %get3A_353 : i32 to index
      %get3A_355 = arith.constant 16 : index
      %get3A_356 = tpu.vector_load %arg6[%get3A_354, %get3A_355] {strides = array<i32>} : memref<8x32xf32, #tpu.memory_space<vmem>>, vector<1x16xf32>,
      %get3A_357 = vector.shape_cast %get3A_356 : vector<1x16xf32> to vector<16xf32>
      %get3A_358 = arith.constant 4 : i32
      %get3A_359 = arith.index_cast %get3A_358 : i32 to index
      %get3A_360 = arith.constant 16 : index
      %get3A_361 = tpu.vector_load %arg6[%get3A_359, %get3A_360] {strides = array<i32>} : memref<8x32xf32, #tpu.memory_space<vmem>>, vector<1x16xf32>,
      %get3A_362 = vector.shape_cast %get3A_361 : vector<1x16xf32> to vector<16xf32>
      %get3A_363 = arith.constant 5 : i32
      %get3A_364 = arith.index_cast %get3A_363 : i32 to index
      %get3A_365 = arith.constant 16 : index
      %get3A_366 = tpu.vector_load %arg6[%get3A_364, %get3A_365] {strides = array<i32>} : memref<8x32xf32, #tpu.memory_space<vmem>>, vector<1x16xf32>,
      %get3A_367 = vector.shape_cast %get3A_366 : vector<1x16xf32> to vector<16xf32>
      %get3A_368 = arith.constant 6 : i32
      %get3A_369 = arith.index_cast %get3A_368 : i32 to index
      %get3A_370 = arith.constant 16 : index
      %get3A_371 = tpu.vector_load %arg6[%get3A_369, %get3A_370] {strides = array<i32>} : memref<8x32xf32, #tpu.memory_space<vmem>>, vector<1x16xf32>,
      %get3A_372 = vector.shape_cast %get3A_371 : vector<1x16xf32> to vector<16xf32>
      %get3A_373 = arith.constant 7 : i32
      %get3A_374 = arith.index_cast %get3A_373 : i32 to index
      %get3A_375 = arith.constant 16 : index
      %get3A_376 = tpu.vector_load %arg6[%get3A_374, %get3A_375] {strides = array<i32>} : memref<8x32xf32, #tpu.memory_space<vmem>>, vector<1x16xf32>,
      %get3A_377 = vector.shape_cast %get3A_376 : vector<1x16xf32> to vector<16xf32>
      %max3A_378 = arith.maximumf %get3A_342, %get3A_347 : vector<16xf32>
      %max3A_379 = arith.maximumf %max3A_378, %get3A_352 : vector<16xf32>
      %max3A_380 = arith.maximumf %max3A_379, %get3A_357 : vector<16xf32>
      %max3A_381 = arith.maximumf %max3A_380, %get3A_362 : vector<16xf32>
      %max3A_382 = arith.maximumf %max3A_381, %get3A_367 : vector<16xf32>
      %max3A_383 = arith.maximumf %max3A_382, %get3A_372 : vector<16xf32>
      %max3A_384 = arith.maximumf %max3A_383, %get3A_377 : vector<16xf32>
      %broadcast_in_dim3A_385 = arith.constant 8 : i32
      %broadcast_in_dim3A_386 = vector.broadcast %broadcast_in_dim3A_385 : i32 to vector<16xi32>
      %eq3A_387 = arith.cmpf oeq, %get3A_377, %max3A_384 : vector<16xf32>
      %jit3A_388 = arith.constant 7 : i32
      %broadcast_in_dim3A_389 = vector.broadcast %jit3A_388 : i32 to vector<16xi32>
      %select_n3A_390 = arith.select %eq3A_387, %broadcast_in_dim3A_389, %broadcast_in_dim3A_386 : vector<16xi1>, vector<16xi32>
      %eq3A_391 = arith.cmpf oeq, %get3A_372, %max3A_384 : vector<16xf32>
      %jit3A_392 = arith.constant 6 : i32
      %broadcast_in_dim3A_393 = vector.broadcast %jit3A_392 : i32 to vector<16xi32>
      %select_n3A_394 = arith.select %eq3A_391, %broadcast_in_dim3A_393, %select_n3A_390 : vector<16xi1>, vector<16xi32>
      %eq3A_395 = arith.cmpf oeq, %get3A_367, %max3A_384 : vector<16xf32>
      %jit3A_396 = arith.constant 5 : i32
      %broadcast_in_dim3A_397 = vector.broadcast %jit3A_396 : i32 to vector<16xi32>
      %select_n3A_398 = arith.select %eq3A_395, %broadcast_in_dim3A_397, %select_n3A_394 : vector<16xi1>, vector<16xi32>
      %eq3A_399 = arith.cmpf oeq, %get3A_362, %max3A_384 : vector<16xf32>
      %jit3A_400 = arith.constant 4 : i32
      %broadcast_in_dim3A_401 = vector.broadcast %jit3A_400 : i32 to vector<16xi32>
      %select_n3A_402 = arith.select %eq3A_399, %broadcast_in_dim3A_401, %select_n3A_398 : vector<16xi1>, vector<16xi32>
      %eq3A_403 = arith.cmpf oeq, %get3A_357, %max3A_384 : vector<16xf32>
      %jit3A_404 = arith.constant 3 : i32
      %broadcast_in_dim3A_405 = vector.broadcast %jit3A_404 : i32 to vector<16xi32>
      %select_n3A_406 = arith.select %eq3A_403, %broadcast_in_dim3A_405, %select_n3A_402 : vector<16xi1>, vector<16xi32>
      %eq3A_407 = arith.cmpf oeq, %get3A_352, %max3A_384 : vector<16xf32>
      %jit3A_408 = arith.constant 2 : i32
      %broadcast_in_dim3A_409 = vector.broadcast %jit3A_408 : i32 to vector<16xi32>
      %select_n3A_410 = arith.select %eq3A_407, %broadcast_in_dim3A_409, %select_n3A_406 : vector<16xi1>, vector<16xi32>
      %eq3A_411 = arith.cmpf oeq, %get3A_347, %max3A_384 : vector<16xf32>
      %jit3A_412 = arith.constant 1 : i32
      %broadcast_in_dim3A_413 = vector.broadcast %jit3A_412 : i32 to vector<16xi32>
      %select_n3A_414 = arith.select %eq3A_411, %broadcast_in_dim3A_413, %select_n3A_410 : vector<16xi1>, vector<16xi32>
      %eq3A_415 = arith.cmpf oeq, %get3A_342, %max3A_384 : vector<16xf32>
      %jit3A_416 = arith.constant 0 : i32
      %broadcast_in_dim3A_417 = vector.broadcast %jit3A_416 : i32 to vector<16xi32>
      %select_n3A_418 = arith.select %eq3A_415, %broadcast_in_dim3A_417, %select_n3A_414 : vector<16xi1>, vector<16xi32>
      %broadcast_in_dim3A_419 = arith.constant 0xFF800000 : f32
      %broadcast_in_dim3A_420 = vector.broadcast %broadcast_in_dim3A_419 : f32 to vector<16xf32>
      %eq3A_421 = arith.constant 0 : i32
      %eq3A_422 = vector.broadcast %eq3A_421 : i32 to vector<16xi32>
      %eq3A_423 = arith.cmpi eq, %select_n3A_418, %eq3A_422 : vector<16xi32>
      %select_n3A_424 = arith.select %eq3A_423, %broadcast_in_dim3A_420, %get3A_342 : vector<16xi1>, vector<16xf32>
      %eq3A_425 = arith.constant 1 : i32
      %eq3A_426 = vector.broadcast %eq3A_425 : i32 to vector<16xi32>
      %eq3A_427 = arith.cmpi eq, %select_n3A_418, %eq3A_426 : vector<16xi32>
      %select_n3A_428 = arith.select %eq3A_427, %broadcast_in_dim3A_420, %get3A_347 : vector<16xi1>, vector<16xf32>
      %eq3A_429 = arith.constant 2 : i32
      %eq3A_430 = vector.broadcast %eq3A_429 : i32 to vector<16xi32>
      %eq3A_431 = arith.cmpi eq, %select_n3A_418, %eq3A_430 : vector<16xi32>
      %select_n3A_432 = arith.select %eq3A_431, %broadcast_in_dim3A_420, %get3A_352 : vector<16xi1>, vector<16xf32>
      %eq3A_433 = arith.constant 3 : i32
      %eq3A_434 = vector.broadcast %eq3A_433 : i32 to vector<16xi32>
      %eq3A_435 = arith.cmpi eq, %select_n3A_418, %eq3A_434 : vector<16xi32>
      %select_n3A_436 = arith.select %eq3A_435, %broadcast_in_dim3A_420, %get3A_357 : vector<16xi1>, vector<16xf32>
      %eq3A_437 = arith.constant 4 : i32
      %eq3A_438 = vector.broadcast %eq3A_437 : i32 to vector<16xi32>
      %eq3A_439 = arith.cmpi eq, %select_n3A_418, %eq3A_438 : vector<16xi32>
      %select_n3A_440 = arith.select %eq3A_439, %broadcast_in_dim3A_420, %get3A_362 : vector<16xi1>, vector<16xf32>
      %eq3A_441 = arith.constant 5 : i32
      %eq3A_442 = vector.broadcast %eq3A_441 : i32 to vector<16xi32>
      %eq3A_443 = arith.cmpi eq, %select_n3A_418, %eq3A_442 : vector<16xi32>
      %select_n3A_444 = arith.select %eq3A_443, %broadcast_in_dim3A_420, %get3A_367 : vector<16xi1>, vector<16xf32>
      %eq3A_445 = arith.constant 6 : i32
      %eq3A_446 = vector.broadcast %eq3A_445 : i32 to vector<16xi32>
      %eq3A_447 = arith.cmpi eq, %select_n3A_418, %eq3A_446 : vector<16xi32>
      %select_n3A_448 = arith.select %eq3A_447, %broadcast_in_dim3A_420, %get3A_372 : vector<16xi1>, vector<16xf32>
      %eq3A_449 = arith.constant 7 : i32
      %eq3A_450 = vector.broadcast %eq3A_449 : i32 to vector<16xi32>
      %eq3A_451 = arith.cmpi eq, %select_n3A_418, %eq3A_450 : vector<16xi32>
      %select_n3A_452 = arith.select %eq3A_451, %broadcast_in_dim3A_420, %get3A_377 : vector<16xi1>, vector<16xf32>
      %max3A_453 = arith.maximumf %select_n3A_424, %select_n3A_428 : vector<16xf32>
      %max3A_454 = arith.maximumf %max3A_453, %select_n3A_432 : vector<16xf32>
      %max3A_455 = arith.maximumf %max3A_454, %select_n3A_436 : vector<16xf32>
      %max3A_456 = arith.maximumf %max3A_455, %select_n3A_440 : vector<16xf32>
      %max3A_457 = arith.maximumf %max3A_456, %select_n3A_444 : vector<16xf32>
      %max3A_458 = arith.maximumf %max3A_457, %select_n3A_448 : vector<16xf32>
      %max3A_459 = arith.maximumf %max3A_458, %select_n3A_452 : vector<16xf32>
      %broadcast_in_dim3A_460 = arith.constant 8 : i32
      %broadcast_in_dim3A_461 = vector.broadcast %broadcast_in_dim3A_460 : i32 to vector<16xi32>
      %eq3A_462 = arith.cmpf oeq, %select_n3A_452, %max3A_459 : vector<16xf32>
      %jit3A_463 = arith.constant 7 : i32
      %broadcast_in_dim3A_464 = vector.broadcast %jit3A_463 : i32 to vector<16xi32>
      %select_n3A_465 = arith.select %eq3A_462, %broadcast_in_dim3A_464, %broadcast_in_dim3A_461 : vector<16xi1>, vector<16xi32>
      %eq3A_466 = arith.cmpf oeq, %select_n3A_448, %max3A_459 : vector<16xf32>
      %jit3A_467 = arith.constant 6 : i32
      %broadcast_in_dim3A_468 = vector.broadcast %jit3A_467 : i32 to vector<16xi32>
      %select_n3A_469 = arith.select %eq3A_466, %broadcast_in_dim3A_468, %select_n3A_465 : vector<16xi1>, vector<16xi32>
      %eq3A_470 = arith.cmpf oeq, %select_n3A_444, %max3A_459 : vector<16xf32>
      %jit3A_471 = arith.constant 5 : i32
      %broadcast_in_dim3A_472 = vector.broadcast %jit3A_471 : i32 to vector<16xi32>
      %select_n3A_473 = arith.select %eq3A_470, %broadcast_in_dim3A_472, %select_n3A_469 : vector<16xi1>, vector<16xi32>
      %eq3A_474 = arith.cmpf oeq, %select_n3A_440, %max3A_459 : vector<16xf32>
      %jit3A_475 = arith.constant 4 : i32
      %broadcast_in_dim3A_476 = vector.broadcast %jit3A_475 : i32 to vector<16xi32>
      %select_n3A_477 = arith.select %eq3A_474, %broadcast_in_dim3A_476, %select_n3A_473 : vector<16xi1>, vector<16xi32>
      %eq3A_478 = arith.cmpf oeq, %select_n3A_436, %max3A_459 : vector<16xf32>
      %jit3A_479 = arith.constant 3 : i32
      %broadcast_in_dim3A_480 = vector.broadcast %jit3A_479 : i32 to vector<16xi32>
      %select_n3A_481 = arith.select %eq3A_478, %broadcast_in_dim3A_480, %select_n3A_477 : vector<16xi1>, vector<16xi32>
      %eq3A_482 = arith.cmpf oeq, %select_n3A_432, %max3A_459 : vector<16xf32>
      %jit3A_483 = arith.constant 2 : i32
      %broadcast_in_dim3A_484 = vector.broadcast %jit3A_483 : i32 to vector<16xi32>
      %select_n3A_485 = arith.select %eq3A_482, %broadcast_in_dim3A_484, %select_n3A_481 : vector<16xi1>, vector<16xi32>
      %eq3A_486 = arith.cmpf oeq, %select_n3A_428, %max3A_459 : vector<16xf32>
      %jit3A_487 = arith.constant 1 : i32
      %broadcast_in_dim3A_488 = vector.broadcast %jit3A_487 : i32 to vector<16xi32>
      %select_n3A_489 = arith.select %eq3A_486, %broadcast_in_dim3A_488, %select_n3A_485 : vector<16xi1>, vector<16xi32>
      %eq3A_490 = arith.cmpf oeq, %select_n3A_424, %max3A_459 : vector<16xf32>
      %jit3A_491 = arith.constant 0 : i32
      %broadcast_in_dim3A_492 = vector.broadcast %jit3A_491 : i32 to vector<16xi32>
      %select_n3A_493 = arith.select %eq3A_490, %broadcast_in_dim3A_492, %select_n3A_489 : vector<16xi1>, vector<16xi32>
      %sub3A_494 = arith.subf %max3A_459, %max3A_384 : vector<16xf32>
      %exp3A_495 = math.exp %sub3A_494 : vector<16xf32>
      %add3A_496 = arith.constant 1.000000e+00 : f32
      %add3A_497 = vector.broadcast %add3A_496 : f32 to vector<16xf32>
      %add3A_498 = arith.addf %add3A_497, %exp3A_495 : vector<16xf32>
      %div3A_499 = arith.constant 1.000000e+00 : f32
      %div3A_500 = vector.broadcast %div3A_499 : f32 to vector<16xf32>
      %div3A_501 = arith.divf %div3A_500, %add3A_498 : vector<16xf32>
      %add3A_502 = arith.constant 1.000000e+00 : f32
      %add3A_503 = vector.broadcast %add3A_502 : f32 to vector<16xf32>
      %add3A_504 = arith.addf %add3A_503, %exp3A_495 : vector<16xf32>
      %div3A_505 = arith.divf %exp3A_495, %add3A_504 : vector<16xf32>
      %swap3A_506 = arith.constant 0 : i32
      %swap3A_507 = arith.index_cast %swap3A_506 : i32 to index
      %swap3A_508 = arith.constant 16 : index
      %swap3A_509 = tpu.vector_load %arg7[%swap3A_507, %swap3A_508] {strides = array<i32>} : memref<2x32xi32, #tpu.memory_space<vmem>>, vector<1x16xi32>,
      %swap3A_510 = vector.shape_cast %swap3A_509 : vector<1x16xi32> to vector<16xi32>
      %swap3A_511 = vector.shape_cast %select_n3A_418 : vector<16xi32> to vector<1x16xi32>
      tpu.vector_store %arg7[%swap3A_507, %swap3A_508], %swap3A_511 {strides = array<i32>} : memref<2x32xi32, #tpu.memory_space<vmem>>, vector<1x16xi32>,
      %swap3A_512 = arith.constant 1 : i32
      %swap3A_513 = arith.index_cast %swap3A_512 : i32 to index
      %swap3A_514 = arith.constant 16 : index
      %swap3A_515 = tpu.vector_load %arg7[%swap3A_513, %swap3A_514] {strides = array<i32>} : memref<2x32xi32, #tpu.memory_space<vmem>>, vector<1x16xi32>,
      %swap3A_516 = vector.shape_cast %swap3A_515 : vector<1x16xi32> to vector<16xi32>
      %swap3A_517 = vector.shape_cast %select_n3A_493 : vector<16xi32> to vector<1x16xi32>
      tpu.vector_store %arg7[%swap3A_513, %swap3A_514], %swap3A_517 {strides = array<i32>} : memref<2x32xi32, #tpu.memory_space<vmem>>, vector<1x16xi32>,
      %swap3A_518 = arith.constant 0 : i32
      %swap3A_519 = arith.index_cast %swap3A_518 : i32 to index
      %swap3A_520 = arith.constant 16 : index
      %swap3A_521 = tpu.vector_load %arg8[%swap3A_519, %swap3A_520] {strides = array<i32>} : memref<2x32xf32, #tpu.memory_space<vmem>>, vector<1x16xf32>,
      %swap3A_522 = vector.shape_cast %swap3A_521 : vector<1x16xf32> to vector<16xf32>
      %swap3A_523 = vector.shape_cast %div3A_501 : vector<16xf32> to vector<1x16xf32>
      tpu.vector_store %arg8[%swap3A_519, %swap3A_520], %swap3A_523 {strides = array<i32>} : memref<2x32xf32, #tpu.memory_space<vmem>>, vector<1x16xf32>,
      %swap3A_524 = arith.constant 1 : i32
      %swap3A_525 = arith.index_cast %swap3A_524 : i32 to index
      %swap3A_526 = arith.constant 16 : index
      %swap3A_527 = tpu.vector_load %arg8[%swap3A_525, %swap3A_526] {strides = array<i32>} : memref<2x32xf32, #tpu.memory_space<vmem>>, vector<1x16xf32>,
      %swap3A_528 = vector.shape_cast %swap3A_527 : vector<1x16xf32> to vector<16xf32>
      %swap3A_529 = vector.shape_cast %div3A_505 : vector<16xf32> to vector<1x16xf32>
      tpu.vector_store %arg8[%swap3A_525, %swap3A_526], %swap3A_529 {strides = array<i32>} : memref<2x32xf32, #tpu.memory_space<vmem>>, vector<1x16xf32>,
      %eq3A_530 = arith.constant 0 : i32
      %eq3A_531 = vector.broadcast %eq3A_530 : i32 to vector<16xi32>
      %eq3A_532 = arith.cmpi eq, %select_n3A_418, %eq3A_531 : vector<16xi32>
      %jit3A_533 = arith.constant 0.000000e+00 : f32
      %broadcast_in_dim3A_534 = vector.broadcast %jit3A_533 : f32 to vector<16xf32>
      %select_n3A_535 = arith.select %eq3A_532, %div3A_501, %broadcast_in_dim3A_534 : vector<16xi1>, vector<16xf32>
      %eq3A_536 = arith.constant 0 : i32
      %eq3A_537 = vector.broadcast %eq3A_536 : i32 to vector<16xi32>
      %eq3A_538 = arith.cmpi eq, %select_n3A_493, %eq3A_537 : vector<16xi32>
      %jit3A_539 = arith.constant 0.000000e+00 : f32
      %broadcast_in_dim3A_540 = vector.broadcast %jit3A_539 : f32 to vector<16xf32>
      %select_n3A_541 = arith.select %eq3A_538, %div3A_505, %broadcast_in_dim3A_540 : vector<16xi1>, vector<16xf32>
      %add3A_542 = arith.addf %select_n3A_535, %select_n3A_541 : vector<16xf32>
      %swap3A_543 = arith.constant 0 : i32
      %swap3A_544 = arith.index_cast %swap3A_543 : i32 to index
      %swap3A_545 = arith.constant 16 : index
      %swap3A_546 = tpu.vector_load %arg9[%swap3A_544, %swap3A_545] {strides = array<i32>} : memref<8x32xf32, #tpu.memory_space<vmem>>, vector<1x16xf32>,
      %swap3A_547 = vector.shape_cast %swap3A_546 : vector<1x16xf32> to vector<16xf32>
      %swap3A_548 = vector.shape_cast %add3A_542 : vector<16xf32> to vector<1x16xf32>
      tpu.vector_store %arg9[%swap3A_544, %swap3A_545], %swap3A_548 {strides = array<i32>} : memref<8x32xf32, #tpu.memory_space<vmem>>, vector<1x16xf32>,
      %eq3A_549 = arith.constant 1 : i32
      %eq3A_550 = vector.broadcast %eq3A_549 : i32 to vector<16xi32>
      %eq3A_551 = arith.cmpi eq, %select_n3A_418, %eq3A_550 : vector<16xi32>
      %jit3A_552 = arith.constant 0.000000e+00 : f32
      %broadcast_in_dim3A_553 = vector.broadcast %jit3A_552 : f32 to vector<16xf32>
      %select_n3A_554 = arith.select %eq3A_551, %div3A_501, %broadcast_in_dim3A_553 : vector<16xi1>, vector<16xf32>
      %eq3A_555 = arith.constant 1 : i32
      %eq3A_556 = vector.broadcast %eq3A_555 : i32 to vector<16xi32>
      %eq3A_557 = arith.cmpi eq, %select_n3A_493, %eq3A_556 : vector<16xi32>
      %jit3A_558 = arith.constant 0.000000e+00 : f32
      %broadcast_in_dim3A_559 = vector.broadcast %jit3A_558 : f32 to vector<16xf32>
      %select_n3A_560 = arith.select %eq3A_557, %div3A_505, %broadcast_in_dim3A_559 : vector<16xi1>, vector<16xf32>
      %add3A_561 = arith.addf %select_n3A_554, %select_n3A_560 : vector<16xf32>
      %swap3A_562 = arith.constant 1 : i32
      %swap3A_563 = arith.index_cast %swap3A_562 : i32 to index
      %swap3A_564 = arith.constant 16 : index
      %swap3A_565 = tpu.vector_load %arg9[%swap3A_563, %swap3A_564] {strides = array<i32>} : memref<8x32xf32, #tpu.memory_space<vmem>>, vector<1x16xf32>,
      %swap3A_566 = vector.shape_cast %swap3A_565 : vector<1x16xf32> to vector<16xf32>
      %swap3A_567 = vector.shape_cast %add3A_561 : vector<16xf32> to vector<1x16xf32>
      tpu.vector_store %arg9[%swap3A_563, %swap3A_564], %swap3A_567 {strides = array<i32>} : memref<8x32xf32, #tpu.memory_space<vmem>>, vector<1x16xf32>,
      %eq3A_568 = arith.constant 2 : i32
      %eq3A_569 = vector.broadcast %eq3A_568 : i32 to vector<16xi32>
      %eq3A_570 = arith.cmpi eq, %select_n3A_418, %eq3A_569 : vector<16xi32>
      %jit3A_571 = arith.constant 0.000000e+00 : f32
      %broadcast_in_dim3A_572 = vector.broadcast %jit3A_571 : f32 to vector<16xf32>
      %select_n3A_573 = arith.select %eq3A_570, %div3A_501, %broadcast_in_dim3A_572 : vector<16xi1>, vector<16xf32>
      %eq3A_574 = arith.constant 2 : i32
      %eq3A_575 = vector.broadcast %eq3A_574 : i32 to vector<16xi32>
      %eq3A_576 = arith.cmpi eq, %select_n3A_493, %eq3A_575 : vector<16xi32>
      %jit3A_577 = arith.constant 0.000000e+00 : f32
      %broadcast_in_dim3A_578 = vector.broadcast %jit3A_577 : f32 to vector<16xf32>
      %select_n3A_579 = arith.select %eq3A_576, %div3A_505, %broadcast_in_dim3A_578 : vector<16xi1>, vector<16xf32>
      %add3A_580 = arith.addf %select_n3A_573, %select_n3A_579 : vector<16xf32>
      %swap3A_581 = arith.constant 2 : i32
      %swap3A_582 = arith.index_cast %swap3A_581 : i32 to index
      %swap3A_583 = arith.constant 16 : index
      %swap3A_584 = tpu.vector_load %arg9[%swap3A_582, %swap3A_583] {strides = array<i32>} : memref<8x32xf32, #tpu.memory_space<vmem>>, vector<1x16xf32>,
      %swap3A_585 = vector.shape_cast %swap3A_584 : vector<1x16xf32> to vector<16xf32>
      %swap3A_586 = vector.shape_cast %add3A_580 : vector<16xf32> to vector<1x16xf32>
      tpu.vector_store %arg9[%swap3A_582, %swap3A_583], %swap3A_586 {strides = array<i32>} : memref<8x32xf32, #tpu.memory_space<vmem>>, vector<1x16xf32>,
      %eq3A_587 = arith.constant 3 : i32
      %eq3A_588 = vector.broadcast %eq3A_587 : i32 to vector<16xi32>
      %eq3A_589 = arith.cmpi eq, %select_n3A_418, %eq3A_588 : vector<16xi32>
      %jit3A_590 = arith.constant 0.000000e+00 : f32
      %broadcast_in_dim3A_591 = vector.broadcast %jit3A_590 : f32 to vector<16xf32>
      %select_n3A_592 = arith.select %eq3A_589, %div3A_501, %broadcast_in_dim3A_591 : vector<16xi1>, vector<16xf32>
      %eq3A_593 = arith.constant 3 : i32
      %eq3A_594 = vector.broadcast %eq3A_593 : i32 to vector<16xi32>
      %eq3A_595 = arith.cmpi eq, %select_n3A_493, %eq3A_594 : vector<16xi32>
      %jit3A_596 = arith.constant 0.000000e+00 : f32
      %broadcast_in_dim3A_597 = vector.broadcast %jit3A_596 : f32 to vector<16xf32>
      %select_n3A_598 = arith.select %eq3A_595, %div3A_505, %broadcast_in_dim3A_597 : vector<16xi1>, vector<16xf32>
      %add3A_599 = arith.addf %select_n3A_592, %select_n3A_598 : vector<16xf32>
      %swap3A_600 = arith.constant 3 : i32
      %swap3A_601 = arith.index_cast %swap3A_600 : i32 to index
      %swap3A_602 = arith.constant 16 : index
      %swap3A_603 = tpu.vector_load %arg9[%swap3A_601, %swap3A_602] {strides = array<i32>} : memref<8x32xf32, #tpu.memory_space<vmem>>, vector<1x16xf32>,
      %swap3A_604 = vector.shape_cast %swap3A_603 : vector<1x16xf32> to vector<16xf32>
      %swap3A_605 = vector.shape_cast %add3A_599 : vector<16xf32> to vector<1x16xf32>
      tpu.vector_store %arg9[%swap3A_601, %swap3A_602], %swap3A_605 {strides = array<i32>} : memref<8x32xf32, #tpu.memory_space<vmem>>, vector<1x16xf32>,
      %eq3A_606 = arith.constant 4 : i32
      %eq3A_607 = vector.broadcast %eq3A_606 : i32 to vector<16xi32>
      %eq3A_608 = arith.cmpi eq, %select_n3A_418, %eq3A_607 : vector<16xi32>
      %jit3A_609 = arith.constant 0.000000e+00 : f32
      %broadcast_in_dim3A_610 = vector.broadcast %jit3A_609 : f32 to vector<16xf32>
      %select_n3A_611 = arith.select %eq3A_608, %div3A_501, %broadcast_in_dim3A_610 : vector<16xi1>, vector<16xf32>
      %eq3A_612 = arith.constant 4 : i32
      %eq3A_613 = vector.broadcast %eq3A_612 : i32 to vector<16xi32>
      %eq3A_614 = arith.cmpi eq, %select_n3A_493, %eq3A_613 : vector<16xi32>
      %jit3A_615 = arith.constant 0.000000e+00 : f32
      %broadcast_in_dim3A_616 = vector.broadcast %jit3A_615 : f32 to vector<16xf32>
      %select_n3A_617 = arith.select %eq3A_614, %div3A_505, %broadcast_in_dim3A_616 : vector<16xi1>, vector<16xf32>
      %add3A_618 = arith.addf %select_n3A_611, %select_n3A_617 : vector<16xf32>
      %swap3A_619 = arith.constant 4 : i32
      %swap3A_620 = arith.index_cast %swap3A_619 : i32 to index
      %swap3A_621 = arith.constant 16 : index
      %swap3A_622 = tpu.vector_load %arg9[%swap3A_620, %swap3A_621] {strides = array<i32>} : memref<8x32xf32, #tpu.memory_space<vmem>>, vector<1x16xf32>,
      %swap3A_623 = vector.shape_cast %swap3A_622 : vector<1x16xf32> to vector<16xf32>
      %swap3A_624 = vector.shape_cast %add3A_618 : vector<16xf32> to vector<1x16xf32>
      tpu.vector_store %arg9[%swap3A_620, %swap3A_621], %swap3A_624 {strides = array<i32>} : memref<8x32xf32, #tpu.memory_space<vmem>>, vector<1x16xf32>,
      %eq3A_625 = arith.constant 5 : i32
      %eq3A_626 = vector.broadcast %eq3A_625 : i32 to vector<16xi32>
      %eq3A_627 = arith.cmpi eq, %select_n3A_418, %eq3A_626 : vector<16xi32>
      %jit3A_628 = arith.constant 0.000000e+00 : f32
      %broadcast_in_dim3A_629 = vector.broadcast %jit3A_628 : f32 to vector<16xf32>
      %select_n3A_630 = arith.select %eq3A_627, %div3A_501, %broadcast_in_dim3A_629 : vector<16xi1>, vector<16xf32>
      %eq3A_631 = arith.constant 5 : i32
      %eq3A_632 = vector.broadcast %eq3A_631 : i32 to vector<16xi32>
      %eq3A_633 = arith.cmpi eq, %select_n3A_493, %eq3A_632 : vector<16xi32>
      %jit3A_634 = arith.constant 0.000000e+00 : f32
      %broadcast_in_dim3A_635 = vector.broadcast %jit3A_634 : f32 to vector<16xf32>
      %select_n3A_636 = arith.select %eq3A_633, %div3A_505, %broadcast_in_dim3A_635 : vector<16xi1>, vector<16xf32>
      %add3A_637 = arith.addf %select_n3A_630, %select_n3A_636 : vector<16xf32>
      %swap3A_638 = arith.constant 5 : i32
      %swap3A_639 = arith.index_cast %swap3A_638 : i32 to index
      %swap3A_640 = arith.constant 16 : index
      %swap3A_641 = tpu.vector_load %arg9[%swap3A_639, %swap3A_640] {strides = array<i32>} : memref<8x32xf32, #tpu.memory_space<vmem>>, vector<1x16xf32>,
      %swap3A_642 = vector.shape_cast %swap3A_641 : vector<1x16xf32> to vector<16xf32>
      %swap3A_643 = vector.shape_cast %add3A_637 : vector<16xf32> to vector<1x16xf32>
      tpu.vector_store %arg9[%swap3A_639, %swap3A_640], %swap3A_643 {strides = array<i32>} : memref<8x32xf32, #tpu.memory_space<vmem>>, vector<1x16xf32>,
      %eq3A_644 = arith.constant 6 : i32
      %eq3A_645 = vector.broadcast %eq3A_644 : i32 to vector<16xi32>
      %eq3A_646 = arith.cmpi eq, %select_n3A_418, %eq3A_645 : vector<16xi32>
      %jit3A_647 = arith.constant 0.000000e+00 : f32
      %broadcast_in_dim3A_648 = vector.broadcast %jit3A_647 : f32 to vector<16xf32>
      %select_n3A_649 = arith.select %eq3A_646, %div3A_501, %broadcast_in_dim3A_648 : vector<16xi1>, vector<16xf32>
      %eq3A_650 = arith.constant 6 : i32
      %eq3A_651 = vector.broadcast %eq3A_650 : i32 to vector<16xi32>
      %eq3A_652 = arith.cmpi eq, %select_n3A_493, %eq3A_651 : vector<16xi32>
      %jit3A_653 = arith.constant 0.000000e+00 : f32
      %broadcast_in_dim3A_654 = vector.broadcast %jit3A_653 : f32 to vector<16xf32>
      %select_n3A_655 = arith.select %eq3A_652, %div3A_505, %broadcast_in_dim3A_654 : vector<16xi1>, vector<16xf32>
      %add3A_656 = arith.addf %select_n3A_649, %select_n3A_655 : vector<16xf32>
      %swap3A_657 = arith.constant 6 : i32
      %swap3A_658 = arith.index_cast %swap3A_657 : i32 to index
      %swap3A_659 = arith.constant 16 : index
      %swap3A_660 = tpu.vector_load %arg9[%swap3A_658, %swap3A_659] {strides = array<i32>} : memref<8x32xf32, #tpu.memory_space<vmem>>, vector<1x16xf32>,
      %swap3A_661 = vector.shape_cast %swap3A_660 : vector<1x16xf32> to vector<16xf32>
      %swap3A_662 = vector.shape_cast %add3A_656 : vector<16xf32> to vector<1x16xf32>
      tpu.vector_store %arg9[%swap3A_658, %swap3A_659], %swap3A_662 {strides = array<i32>} : memref<8x32xf32, #tpu.memory_space<vmem>>, vector<1x16xf32>,
      %eq3A_663 = arith.constant 7 : i32
      %eq3A_664 = vector.broadcast %eq3A_663 : i32 to vector<16xi32>
      %eq3A_665 = arith.cmpi eq, %select_n3A_418, %eq3A_664 : vector<16xi32>
      %jit3A_666 = arith.constant 0.000000e+00 : f32
      %broadcast_in_dim3A_667 = vector.broadcast %jit3A_666 : f32 to vector<16xf32>
      %select_n3A_668 = arith.select %eq3A_665, %div3A_501, %broadcast_in_dim3A_667 : vector<16xi1>, vector<16xf32>
      %eq3A_669 = arith.constant 7 : i32
      %eq3A_670 = vector.broadcast %eq3A_669 : i32 to vector<16xi32>
      %eq3A_671 = arith.cmpi eq, %select_n3A_493, %eq3A_670 : vector<16xi32>
      %jit3A_672 = arith.constant 0.000000e+00 : f32
      %broadcast_in_dim3A_673 = vector.broadcast %jit3A_672 : f32 to vector<16xf32>
      %select_n3A_674 = arith.select %eq3A_671, %div3A_505, %broadcast_in_dim3A_673 : vector<16xi1>, vector<16xf32>
      %add3A_675 = arith.addf %select_n3A_668, %select_n3A_674 : vector<16xf32>
      %swap3A_676 = arith.constant 7 : i32
      %swap3A_677 = arith.index_cast %swap3A_676 : i32 to index
      %swap3A_678 = arith.constant 16 : index
      %swap3A_679 = tpu.vector_load %arg9[%swap3A_677, %swap3A_678] {strides = array<i32>} : memref<8x32xf32, #tpu.memory_space<vmem>>, vector<1x16xf32>,
      %swap3A_680 = vector.shape_cast %swap3A_679 : vector<1x16xf32> to vector<16xf32>
      %swap3A_681 = vector.shape_cast %add3A_675 : vector<16xf32> to vector<1x16xf32>
      tpu.vector_store %arg9[%swap3A_677, %swap3A_678], %swap3A_681 {strides = array<i32>} : memref<8x32xf32, #tpu.memory_space<vmem>>, vector<1x16xf32>,
      "tpu.region"() ({
        %run_scoped3A = tpu.sem_alloc : memref<!tpu.dma_semaphore, #tpu.memory_space<semaphore_mem>>
        tpu.enqueue_dma source(%arg7 : memref<2x32xi32, #tpu.memory_space<vmem>>) target(%arg3 : memref<2x32xi32, #tpu.memory_space<hbm>>) target_semaphore(%run_scoped3A : memref<!tpu.dma_semaphore, #tpu.memory_space<semaphore_mem>>)
        tpu.wait_dma2 semaphore(%run_scoped3A : memref<!tpu.dma_semaphore, #tpu.memory_space<semaphore_mem>>) src(%arg7 : memref<2x32xi32, #tpu.memory_space<vmem>>) dst(%arg3 : memref<2x32xi32, #tpu.memory_space<hbm>>)
        tpu.yield
      }) : () -> ()
      "tpu.region"() ({
        %run_scoped3A = tpu.sem_alloc : memref<!tpu.dma_semaphore, #tpu.memory_space<semaphore_mem>>
        tpu.enqueue_dma source(%arg8 : memref<2x32xf32, #tpu.memory_space<vmem>>) target(%arg4 : memref<2x32xf32, #tpu.memory_space<hbm>>) target_semaphore(%run_scoped3A : memref<!tpu.dma_semaphore, #tpu.memory_space<semaphore_mem>>)
        tpu.wait_dma2 semaphore(%run_scoped3A : memref<!tpu.dma_semaphore, #tpu.memory_space<semaphore_mem>>) src(%arg8 : memref<2x32xf32, #tpu.memory_space<vmem>>) dst(%arg4 : memref<2x32xf32, #tpu.memory_space<hbm>>)
        tpu.yield
      }) : () -> ()
      "tpu.region"() ({
        %run_scoped3A = tpu.sem_alloc : memref<!tpu.dma_semaphore, #tpu.memory_space<semaphore_mem>>
        tpu.enqueue_dma source(%arg9 : memref<8x32xf32, #tpu.memory_space<vmem>>) target(%arg5 : memref<8x32xf32, #tpu.memory_space<hbm>>) target_semaphore(%run_scoped3A : memref<!tpu.dma_semaphore, #tpu.memory_space<semaphore_mem>>)
        tpu.wait_dma2 semaphore(%run_scoped3A : memref<!tpu.dma_semaphore, #tpu.memory_space<semaphore_mem>>) src(%arg9 : memref<8x32xf32, #tpu.memory_space<vmem>>) dst(%arg5 : memref<8x32xf32, #tpu.memory_space<hbm>>)
        tpu.yield
      }) : () -> ()
    } else {
    }
    return
  }
}

module attributes {stable_mosaic.version = 14 : i64} {
  func.func @_loss_body(%arg0: memref<8x32xf32, #tpu.memory_space<vmem>>, %arg1: memref<1x1xf32, #tpu.memory_space<vmem>>) attributes {dimension_semantics = [], scalar_prefetch = 0 : i64, scratch_operands = 0 : i64, tpu.core_type = #tpu.core_type<tc>} {
    %get3A = arith.constant 0 : index
    %get3A_0 = arith.constant 0 : index
    %get3A_1 = vector.load %arg0[%get3A, %get3A_0] : memref<8x32xf32, #tpu.memory_space<vmem>>, vector<8x32xf32>
    %reduce_sum3A = arith.constant dense<0.000000e+00> : vector<8xf32>
    %reduce_sum3A_2 = vector.multi_reduction <add>, %get3A_1, %reduce_sum3A [1] : vector<8x32xf32> to vector<8xf32>
    %broadcast_in_dim3A = vector.shape_cast %reduce_sum3A_2 : vector<8xf32> to vector<8x1xf32>
    %gt3A = arith.constant 0.000000e+00 : f32
    %gt3A_3 = vector.broadcast %gt3A : f32 to vector<8x32xf32>
    %gt3A_4 = arith.cmpf ogt, %get3A_1, %gt3A_3 : vector<8x32xf32>
    %convert_element_type3A = arith.extui %gt3A_4 : vector<8x32xi1> to vector<8x32xi32>
    %convert_element_type3A_5 = arith.sitofp %convert_element_type3A : vector<8x32xi32> to vector<8x32xf32>
    %reduce_sum3A_6 = arith.constant dense<0.000000e+00> : vector<8xf32>
    %reduce_sum3A_7 = vector.multi_reduction <add>, %convert_element_type3A_5, %reduce_sum3A_6 [1] : vector<8x32xf32> to vector<8xf32>
    %broadcast_in_dim3A_8 = vector.shape_cast %reduce_sum3A_7 : vector<8xf32> to vector<8x1xf32>
    %reduce_sum3A_9 = vector.shape_cast %broadcast_in_dim3A : vector<8x1xf32> to vector<1x8x1xf32>
    %reduce_sum3A_10 = arith.constant dense<0.000000e+00> : vector<1xf32>
    %reduce_sum3A_11 = vector.multi_reduction <add>, %reduce_sum3A_9, %reduce_sum3A_10 [1, 2] : vector<1x8x1xf32> to vector<1xf32>
    %reduce_sum3A_12 = vector.shape_cast %reduce_sum3A_11 : vector<1xf32> to vector<1x1x1xf32>
    %reduce_sum3A_13 = vector.extract %reduce_sum3A_12[0, 0, 0] : f32 from vector<1x1x1xf32>
    %div3A = arith.constant 8.000000e+00 : f32
    %div3A_14 = arith.divf %reduce_sum3A_13, %div3A : f32
    %sub3A = vector.broadcast %div3A_14 : f32 to vector<8x1xf32>
    %sub3A_15 = arith.subf %broadcast_in_dim3A, %sub3A : vector<8x1xf32>
    %integer_pow3A = arith.mulf %sub3A_15, %sub3A_15 : vector<8x1xf32>
    %reduce_sum3A_16 = vector.shape_cast %integer_pow3A : vector<8x1xf32> to vector<1x8x1xf32>
    %reduce_sum3A_17 = arith.constant dense<0.000000e+00> : vector<1xf32>
    %reduce_sum3A_18 = vector.multi_reduction <add>, %reduce_sum3A_16, %reduce_sum3A_17 [1, 2] : vector<1x8x1xf32> to vector<1xf32>
    %reduce_sum3A_19 = vector.shape_cast %reduce_sum3A_18 : vector<1xf32> to vector<1x1x1xf32>
    %reduce_sum3A_20 = vector.extract %reduce_sum3A_19[0, 0, 0] : f32 from vector<1x1x1xf32>
    %div3A_21 = arith.constant 7.000000e+00 : f32
    %div3A_22 = arith.divf %reduce_sum3A_20, %div3A_21 : f32
    %mul3A = arith.mulf %div3A_14, %div3A_14 : f32
    %add3A = arith.constant 1.000000e-10 : f32
    %add3A_23 = arith.addf %mul3A, %add3A : f32
    %div3A_24 = arith.divf %div3A_22, %add3A_23 : f32
    %reduce_sum3A_25 = vector.shape_cast %broadcast_in_dim3A_8 : vector<8x1xf32> to vector<1x8x1xf32>
    %reduce_sum3A_26 = arith.constant dense<0.000000e+00> : vector<1xf32>
    %reduce_sum3A_27 = vector.multi_reduction <add>, %reduce_sum3A_25, %reduce_sum3A_26 [1, 2] : vector<1x8x1xf32> to vector<1xf32>
    %reduce_sum3A_28 = vector.shape_cast %reduce_sum3A_27 : vector<1xf32> to vector<1x1x1xf32>
    %reduce_sum3A_29 = vector.extract %reduce_sum3A_28[0, 0, 0] : f32 from vector<1x1x1xf32>
    %div3A_30 = arith.constant 8.000000e+00 : f32
    %div3A_31 = arith.divf %reduce_sum3A_29, %div3A_30 : f32
    %sub3A_32 = vector.broadcast %div3A_31 : f32 to vector<8x1xf32>
    %sub3A_33 = arith.subf %broadcast_in_dim3A_8, %sub3A_32 : vector<8x1xf32>
    %integer_pow3A_34 = arith.mulf %sub3A_33, %sub3A_33 : vector<8x1xf32>
    %reduce_sum3A_35 = vector.shape_cast %integer_pow3A_34 : vector<8x1xf32> to vector<1x8x1xf32>
    %reduce_sum3A_36 = arith.constant dense<0.000000e+00> : vector<1xf32>
    %reduce_sum3A_37 = vector.multi_reduction <add>, %reduce_sum3A_35, %reduce_sum3A_36 [1, 2] : vector<1x8x1xf32> to vector<1xf32>
    %reduce_sum3A_38 = vector.shape_cast %reduce_sum3A_37 : vector<1xf32> to vector<1x1x1xf32>
    %reduce_sum3A_39 = vector.extract %reduce_sum3A_38[0, 0, 0] : f32 from vector<1x1x1xf32>
    %div3A_40 = arith.constant 7.000000e+00 : f32
    %div3A_41 = arith.divf %reduce_sum3A_39, %div3A_40 : f32
    %mul3A_42 = arith.mulf %div3A_31, %div3A_31 : f32
    %add3A_43 = arith.constant 1.000000e-10 : f32
    %add3A_44 = arith.addf %mul3A_42, %add3A_43 : f32
    %div3A_45 = arith.divf %div3A_41, %add3A_44 : f32
    %add3A_46 = arith.addf %div3A_24, %div3A_45 : f32
    %jit3A = arith.constant 0.000000e+00 : f32
    %jit3A_47 = arith.constant 1.000000e+03 : f32
    %max3A = arith.maximumf %jit3A, %add3A_46 : f32
    %min3A = arith.minimumf %jit3A_47, %max3A : f32
    %broadcast_in_dim3A_48 = arith.constant 1.000000e+00 : f32
    %broadcast_in_dim3A_49 = vector.broadcast %broadcast_in_dim3A_48 : f32 to vector<1x1xf32>
    %mul3A_50 = vector.broadcast %min3A : f32 to vector<1x1xf32>
    %mul3A_51 = arith.mulf %mul3A_50, %broadcast_in_dim3A_49 : vector<1x1xf32>
    %swap3A = arith.constant 0 : index
    %swap3A_52 = arith.constant 0 : index
    %swap3A_53 = vector.load %arg1[%swap3A, %swap3A_52] : memref<1x1xf32, #tpu.memory_space<vmem>>, vector<1x1xf32>
    tpu.vector_store %arg1[%swap3A, %swap3A_52], %mul3A_51 {strides = array<i32>} : memref<1x1xf32, #tpu.memory_space<vmem>>, vector<1x1xf32>,
    return
  }
}

module attributes {stable_mosaic.version = 14 : i64} {
  func.func @_pool_body(%arg0: i32, %arg1: memref<8x1024x96xf32, #tpu.memory_space<vmem>>, %arg2: memref<96x8xf32, #tpu.memory_space<vmem>>, %arg3: memref<8x1x8xf32, #tpu.memory_space<vmem>>) attributes {dimension_semantics = [#tpu.dimension_semantics<parallel>], iteration_bounds = array<i64: 4>, scalar_prefetch = 0 : i64, scratch_operands = 0 : i64, tpu.core_type = #tpu.core_type<tc>, window_params = [{transform_indices = @transform_0, window_bounds = array<i64: 8, 1024, 96>}, {pipeline_mode = #tpu.pipeline_mode<synchronous>, transform_indices = @transform_1, window_bounds = array<i64: 96, 8>}, {transform_indices = @transform_2, window_bounds = array<i64: 8, 1, 8>}]} {
    %get3A = arith.constant 0 : index
    %get3A_0 = arith.constant 0 : index
    %get3A_1 = arith.constant 0 : index
    %get3A_2 = vector.load %arg1[%get3A, %get3A_0, %get3A_1] : memref<8x1024x96xf32, #tpu.memory_space<vmem>>, vector<8x1024x96xf32>
    %reduce_sum3A = arith.constant dense<0.000000e+00> : vector<8x96xf32>
    %reduce_sum3A_3 = vector.multi_reduction <add>, %get3A_2, %reduce_sum3A [1] : vector<8x1024x96xf32> to vector<8x96xf32>
    %div3A = arith.constant 1.024000e+03 : f32
    %div3A_4 = vector.broadcast %div3A : f32 to vector<8x96xf32>
    %div3A_5 = arith.divf %reduce_sum3A_3, %div3A_4 : vector<8x96xf32>
    %get3A_6 = arith.constant 0 : index
    %get3A_7 = arith.constant 0 : index
    %get3A_8 = vector.load %arg2[%get3A_6, %get3A_7] : memref<96x8xf32, #tpu.memory_space<vmem>>, vector<96x8xf32>
    %dot_general3A = arith.constant dense<0.000000e+00> : vector<8x8xf32>
    %dot_general3A_9 = tpu.matmul %div3A_5, %get3A_8, %dot_general3A {dimension_numbers = #tpu.dot_dimension_numbers<[1], [0], [0], [1], [0, 0, 1, 1], [], []>, transpose_lhs_hint = false} : vector<8x96xf32>, vector<96x8xf32>, vector<8x8xf32> -> vector<8x8xf32>
    %jit3A = arith.constant -5.000000e+01 : f32
    %jit3A_10 = arith.constant 5.000000e+01 : f32
    %max3A = vector.broadcast %jit3A : f32 to vector<8x8xf32>
    %max3A_11 = arith.maximumf %max3A, %dot_general3A_9 : vector<8x8xf32>
    %min3A = vector.broadcast %jit3A_10 : f32 to vector<8x8xf32>
    %min3A_12 = arith.minimumf %min3A, %max3A_11 : vector<8x8xf32>
    %broadcast_in_dim3A = vector.shape_cast %min3A_12 : vector<8x8xf32> to vector<8x1x8xf32>
    %swap3A = arith.constant 0 : index
    %swap3A_13 = arith.constant 0 : index
    %swap3A_14 = arith.constant 0 : index
    %swap3A_15 = vector.load %arg3[%swap3A, %swap3A_13, %swap3A_14] : memref<8x1x8xf32, #tpu.memory_space<vmem>>, vector<8x1x8xf32>
    tpu.vector_store %arg3[%swap3A, %swap3A_13, %swap3A_14], %broadcast_in_dim3A {strides = array<i32>} : memref<8x1x8xf32, #tpu.memory_space<vmem>>, vector<8x1x8xf32>,
    return
  }
  func.func @transform_0(%arg0: i32) -> (i32, i32, i32) {
    %c0_i32 = arith.constant 0 : i32
    %c0_i32_0 = arith.constant 0 : i32
    %c0_i32_1 = arith.constant 0 : i32
    return %arg0, %c0_i32, %c0_i32_0 : i32, i32, i32
  }
  func.func @transform_1(%arg0: i32) -> (i32, i32) {
    %c0_i32 = arith.constant 0 : i32
    %c0_i32_0 = arith.constant 0 : i32
    %c0_i32_1 = arith.constant 0 : i32
    return %c0_i32, %c0_i32_0 : i32, i32
  }
  func.func @transform_2(%arg0: i32) -> (i32, i32, i32) {
    %c0_i32 = arith.constant 0 : i32
    %c0_i32_0 = arith.constant 0 : i32
    %c0_i32_1 = arith.constant 0 : i32
    return %arg0, %c0_i32, %c0_i32_0 : i32, i32, i32
  }
}

module attributes {stable_mosaic.version = 14 : i64} {
  func.func @_expert_body(%arg0: i32, %arg1: memref<2x32xi32, #tpu.memory_space<smem>>, %arg2: memref<2x32xf32, #tpu.memory_space<smem>>, %arg3: memref<8x1024x96xf32, #tpu.memory_space<vmem>>, %arg4: memref<8x96x96xf32, #tpu.memory_space<vmem>>, %arg5: memref<8x96xf32, #tpu.memory_space<vmem>>, %arg6: memref<8x96x96xf32, #tpu.memory_space<vmem>>, %arg7: memref<8x96xf32, #tpu.memory_space<vmem>>, %arg8: memref<8x1024x96xf32, #tpu.memory_space<vmem>>) attributes {dimension_semantics = [#tpu.dimension_semantics<parallel>], iteration_bounds = array<i64: 4>, scalar_prefetch = 0 : i64, scratch_operands = 0 : i64, tpu.core_type = #tpu.core_type<tc>, window_params = [{transform_indices = @transform_0, window_bounds = array<i64: 2, 32>}, {transform_indices = @transform_1, window_bounds = array<i64: 2, 32>}, {transform_indices = @transform_2, window_bounds = array<i64: 8, 1024, 96>}, {pipeline_mode = #tpu.pipeline_mode<synchronous>, transform_indices = @transform_3, window_bounds = array<i64: 8, 96, 96>}, {pipeline_mode = #tpu.pipeline_mode<synchronous>, transform_indices = @transform_4, window_bounds = array<i64: 8, 96>}, {pipeline_mode = #tpu.pipeline_mode<synchronous>, transform_indices = @transform_5, window_bounds = array<i64: 8, 96, 96>}, {pipeline_mode = #tpu.pipeline_mode<synchronous>, transform_indices = @transform_6, window_bounds = array<i64: 8, 96>}, {transform_indices = @transform_7, window_bounds = array<i64: 8, 1024, 96>}]} {
    %mul3A = arith.constant 8 : i32
    %mul3A_0 = arith.muli %arg0, %mul3A : i32
    %add3A = arith.constant 0 : i32
    %add3A_1 = arith.addi %mul3A_0, %add3A : i32
    %get3A = arith.constant 0 : index
    %get3A_2 = arith.constant 0 : index
    %get3A_3 = arith.constant 0 : index
    %get3A_4 = vector.load %arg3[%get3A, %get3A_2, %get3A_3] : memref<8x1024x96xf32, #tpu.memory_space<vmem>>, vector<1x1024x96xf32>
    %get3A_5 = vector.shape_cast %get3A_4 : vector<1x1024x96xf32> to vector<1024x96xf32>
    %get3A_6 = arith.constant 0 : index
    %get3A_7 = arith.index_cast %add3A_1 : i32 to index
    %get3A_8 = memref.load %arg1[%get3A_6, %get3A_7] : memref<2x32xi32, #tpu.memory_space<smem>>
    %get3A_9 = arith.constant 1 : index
    %get3A_10 = arith.index_cast %add3A_1 : i32 to index
    %get3A_11 = memref.load %arg1[%get3A_9, %get3A_10] : memref<2x32xi32, #tpu.memory_space<smem>>
    %get3A_12 = arith.constant 0 : index
    %get3A_13 = arith.index_cast %add3A_1 : i32 to index
    %get3A_14 = memref.load %arg2[%get3A_12, %get3A_13] : memref<2x32xf32, #tpu.memory_space<smem>>
    %get3A_15 = arith.constant 1 : index
    %get3A_16 = arith.index_cast %add3A_1 : i32 to index
    %get3A_17 = memref.load %arg2[%get3A_15, %get3A_16] : memref<2x32xf32, #tpu.memory_space<smem>>
    %get3A_18 = arith.index_cast %get3A_8 : i32 to index
    %get3A_19 = arith.constant 0 : index
    %get3A_20 = arith.constant 0 : index
    %get3A_21 = vector.load %arg4[%get3A_18, %get3A_19, %get3A_20] : memref<8x96x96xf32, #tpu.memory_space<vmem>>, vector<1x96x96xf32>
    %get3A_22 = vector.shape_cast %get3A_21 : vector<1x96x96xf32> to vector<96x96xf32>
    %dot_general3A = arith.constant dense<0.000000e+00> : vector<1024x96xf32>
    %dot_general3A_23 = tpu.matmul %get3A_5, %get3A_22, %dot_general3A {dimension_numbers = #tpu.dot_dimension_numbers<[1], [0], [0], [1], [0, 0, 1, 1], [], []>, transpose_lhs_hint = false} : vector<1024x96xf32>, vector<96x96xf32>, vector<1024x96xf32> -> vector<1024x96xf32>
    %get3A_24 = arith.index_cast %get3A_8 : i32 to index
    %get3A_25 = arith.constant 0 : index
    %get3A_26 = vector.load %arg5[%get3A_24, %get3A_25] : memref<8x96xf32, #tpu.memory_space<vmem>>, vector<1x96xf32>
    %get3A_27 = vector.shape_cast %get3A_26 : vector<1x96xf32> to vector<96xf32>
    %broadcast_in_dim3A = vector.shape_cast %get3A_27 : vector<96xf32> to vector<1x96xf32>
    %add3A_28 = vector.broadcast %broadcast_in_dim3A : vector<1x96xf32> to vector<1024x96xf32>
    %add3A_29 = arith.addf %dot_general3A_23, %add3A_28 : vector<1024x96xf32>
    %mul3A_30 = arith.constant 5.000000e-01 : f32
    %mul3A_31 = vector.broadcast %mul3A_30 : f32 to vector<1024x96xf32>
    %mul3A_32 = arith.mulf %mul3A_31, %add3A_29 : vector<1024x96xf32>
    %mul3A_33 = arith.constant 0.707106769 : f32
    %mul3A_34 = vector.broadcast %mul3A_33 : f32 to vector<1024x96xf32>
    %mul3A_35 = arith.mulf %add3A_29, %mul3A_34 : vector<1024x96xf32>
    %erf3A = math.erf %mul3A_35 : vector<1024x96xf32>
    %add3A_36 = arith.constant 1.000000e+00 : f32
    %add3A_37 = vector.broadcast %add3A_36 : f32 to vector<1024x96xf32>
    %add3A_38 = arith.addf %add3A_37, %erf3A : vector<1024x96xf32>
    %mul3A_39 = arith.mulf %mul3A_32, %add3A_38 : vector<1024x96xf32>
    %get3A_40 = arith.index_cast %get3A_8 : i32 to index
    %get3A_41 = arith.constant 0 : index
    %get3A_42 = arith.constant 0 : index
    %get3A_43 = vector.load %arg6[%get3A_40, %get3A_41, %get3A_42] : memref<8x96x96xf32, #tpu.memory_space<vmem>>, vector<1x96x96xf32>
    %get3A_44 = vector.shape_cast %get3A_43 : vector<1x96x96xf32> to vector<96x96xf32>
    %dot_general3A_45 = arith.constant dense<0.000000e+00> : vector<1024x96xf32>
    %dot_general3A_46 = tpu.matmul %mul3A_39, %get3A_44, %dot_general3A_45 {dimension_numbers = #tpu.dot_dimension_numbers<[1], [0], [0], [1], [0, 0, 1, 1], [], []>, transpose_lhs_hint = false} : vector<1024x96xf32>, vector<96x96xf32>, vector<1024x96xf32> -> vector<1024x96xf32>
    %get3A_47 = arith.index_cast %get3A_8 : i32 to index
    %get3A_48 = arith.constant 0 : index
    %get3A_49 = vector.load %arg7[%get3A_47, %get3A_48] : memref<8x96xf32, #tpu.memory_space<vmem>>, vector<1x96xf32>
    %get3A_50 = vector.shape_cast %get3A_49 : vector<1x96xf32> to vector<96xf32>
    %broadcast_in_dim3A_51 = vector.shape_cast %get3A_50 : vector<96xf32> to vector<1x96xf32>
    %add3A_52 = vector.broadcast %broadcast_in_dim3A_51 : vector<1x96xf32> to vector<1024x96xf32>
    %add3A_53 = arith.addf %dot_general3A_46, %add3A_52 : vector<1024x96xf32>
    %mul3A_54 = vector.broadcast %get3A_14 : f32 to vector<1024x96xf32>
    %mul3A_55 = arith.mulf %mul3A_54, %add3A_53 : vector<1024x96xf32>
    %get3A_56 = arith.index_cast %get3A_11 : i32 to index
    %get3A_57 = arith.constant 0 : index
    %get3A_58 = arith.constant 0 : index
    %get3A_59 = vector.load %arg4[%get3A_56, %get3A_57, %get3A_58] : memref<8x96x96xf32, #tpu.memory_space<vmem>>, vector<1x96x96xf32>
    %get3A_60 = vector.shape_cast %get3A_59 : vector<1x96x96xf32> to vector<96x96xf32>
    %dot_general3A_61 = arith.constant dense<0.000000e+00> : vector<1024x96xf32>
    %dot_general3A_62 = tpu.matmul %get3A_5, %get3A_60, %dot_general3A_61 {dimension_numbers = #tpu.dot_dimension_numbers<[1], [0], [0], [1], [0, 0, 1, 1], [], []>, transpose_lhs_hint = false} : vector<1024x96xf32>, vector<96x96xf32>, vector<1024x96xf32> -> vector<1024x96xf32>
    %get3A_63 = arith.index_cast %get3A_11 : i32 to index
    %get3A_64 = arith.constant 0 : index
    %get3A_65 = vector.load %arg5[%get3A_63, %get3A_64] : memref<8x96xf32, #tpu.memory_space<vmem>>, vector<1x96xf32>
    %get3A_66 = vector.shape_cast %get3A_65 : vector<1x96xf32> to vector<96xf32>
    %broadcast_in_dim3A_67 = vector.shape_cast %get3A_66 : vector<96xf32> to vector<1x96xf32>
    %add3A_68 = vector.broadcast %broadcast_in_dim3A_67 : vector<1x96xf32> to vector<1024x96xf32>
    %add3A_69 = arith.addf %dot_general3A_62, %add3A_68 : vector<1024x96xf32>
    %mul3A_70 = arith.constant 5.000000e-01 : f32
    %mul3A_71 = vector.broadcast %mul3A_70 : f32 to vector<1024x96xf32>
    %mul3A_72 = arith.mulf %mul3A_71, %add3A_69 : vector<1024x96xf32>
    %mul3A_73 = arith.constant 0.707106769 : f32
    %mul3A_74 = vector.broadcast %mul3A_73 : f32 to vector<1024x96xf32>
    %mul3A_75 = arith.mulf %add3A_69, %mul3A_74 : vector<1024x96xf32>
    %erf3A_76 = math.erf %mul3A_75 : vector<1024x96xf32>
    %add3A_77 = arith.constant 1.000000e+00 : f32
    %add3A_78 = vector.broadcast %add3A_77 : f32 to vector<1024x96xf32>
    %add3A_79 = arith.addf %add3A_78, %erf3A_76 : vector<1024x96xf32>
    %mul3A_80 = arith.mulf %mul3A_72, %add3A_79 : vector<1024x96xf32>
    %get3A_81 = arith.index_cast %get3A_11 : i32 to index
    %get3A_82 = arith.constant 0 : index
    %get3A_83 = arith.constant 0 : index
    %get3A_84 = vector.load %arg6[%get3A_81, %get3A_82, %get3A_83] : memref<8x96x96xf32, #tpu.memory_space<vmem>>, vector<1x96x96xf32>
    %get3A_85 = vector.shape_cast %get3A_84 : vector<1x96x96xf32> to vector<96x96xf32>
    %dot_general3A_86 = arith.constant dense<0.000000e+00> : vector<1024x96xf32>
    %dot_general3A_87 = tpu.matmul %mul3A_80, %get3A_85, %dot_general3A_86 {dimension_numbers = #tpu.dot_dimension_numbers<[1], [0], [0], [1], [0, 0, 1, 1], [], []>, transpose_lhs_hint = false} : vector<1024x96xf32>, vector<96x96xf32>, vector<1024x96xf32> -> vector<1024x96xf32>
    %get3A_88 = arith.index_cast %get3A_11 : i32 to index
    %get3A_89 = arith.constant 0 : index
    %get3A_90 = vector.load %arg7[%get3A_88, %get3A_89] : memref<8x96xf32, #tpu.memory_space<vmem>>, vector<1x96xf32>
    %get3A_91 = vector.shape_cast %get3A_90 : vector<1x96xf32> to vector<96xf32>
    %broadcast_in_dim3A_92 = vector.shape_cast %get3A_91 : vector<96xf32> to vector<1x96xf32>
    %add3A_93 = vector.broadcast %broadcast_in_dim3A_92 : vector<1x96xf32> to vector<1024x96xf32>
    %add3A_94 = arith.addf %dot_general3A_87, %add3A_93 : vector<1024x96xf32>
    %mul3A_95 = vector.broadcast %get3A_17 : f32 to vector<1024x96xf32>
    %mul3A_96 = arith.mulf %mul3A_95, %add3A_94 : vector<1024x96xf32>
    %add3A_97 = arith.addf %mul3A_55, %mul3A_96 : vector<1024x96xf32>
    %swap3A = arith.constant 0 : index
    %swap3A_98 = arith.constant 0 : index
    %swap3A_99 = arith.constant 0 : index
    %swap3A_100 = vector.load %arg8[%swap3A, %swap3A_98, %swap3A_99] : memref<8x1024x96xf32, #tpu.memory_space<vmem>>, vector<1x1024x96xf32>
    %swap3A_101 = vector.shape_cast %swap3A_100 : vector<1x1024x96xf32> to vector<1024x96xf32>
    %swap3A_102 = vector.shape_cast %add3A_97 : vector<1024x96xf32> to vector<1x1024x96xf32>
    tpu.vector_store %arg8[%swap3A, %swap3A_98, %swap3A_99], %swap3A_102 {strides = array<i32>} : memref<8x1024x96xf32, #tpu.memory_space<vmem>>, vector<1x1024x96xf32>,
    %add3A_103 = arith.constant 1 : i32
    %add3A_104 = arith.addi %mul3A_0, %add3A_103 : i32
    %get3A_105 = arith.constant 1 : index
    %get3A_106 = arith.constant 0 : index
    %get3A_107 = arith.constant 0 : index
    %get3A_108 = vector.load %arg3[%get3A_105, %get3A_106, %get3A_107] : memref<8x1024x96xf32, #tpu.memory_space<vmem>>, vector<1x1024x96xf32>
    %get3A_109 = vector.shape_cast %get3A_108 : vector<1x1024x96xf32> to vector<1024x96xf32>
    %get3A_110 = arith.constant 0 : index
    %get3A_111 = arith.index_cast %add3A_104 : i32 to index
    %get3A_112 = memref.load %arg1[%get3A_110, %get3A_111] : memref<2x32xi32, #tpu.memory_space<smem>>
    %get3A_113 = arith.constant 1 : index
    %get3A_114 = arith.index_cast %add3A_104 : i32 to index
    %get3A_115 = memref.load %arg1[%get3A_113, %get3A_114] : memref<2x32xi32, #tpu.memory_space<smem>>
    %get3A_116 = arith.constant 0 : index
    %get3A_117 = arith.index_cast %add3A_104 : i32 to index
    %get3A_118 = memref.load %arg2[%get3A_116, %get3A_117] : memref<2x32xf32, #tpu.memory_space<smem>>
    %get3A_119 = arith.constant 1 : index
    %get3A_120 = arith.index_cast %add3A_104 : i32 to index
    %get3A_121 = memref.load %arg2[%get3A_119, %get3A_120] : memref<2x32xf32, #tpu.memory_space<smem>>
    %get3A_122 = arith.index_cast %get3A_112 : i32 to index
    %get3A_123 = arith.constant 0 : index
    %get3A_124 = arith.constant 0 : index
    %get3A_125 = vector.load %arg4[%get3A_122, %get3A_123, %get3A_124] : memref<8x96x96xf32, #tpu.memory_space<vmem>>, vector<1x96x96xf32>
    %get3A_126 = vector.shape_cast %get3A_125 : vector<1x96x96xf32> to vector<96x96xf32>
    %dot_general3A_127 = arith.constant dense<0.000000e+00> : vector<1024x96xf32>
    %dot_general3A_128 = tpu.matmul %get3A_109, %get3A_126, %dot_general3A_127 {dimension_numbers = #tpu.dot_dimension_numbers<[1], [0], [0], [1], [0, 0, 1, 1], [], []>, transpose_lhs_hint = false} : vector<1024x96xf32>, vector<96x96xf32>, vector<1024x96xf32> -> vector<1024x96xf32>
    %get3A_129 = arith.index_cast %get3A_112 : i32 to index
    %get3A_130 = arith.constant 0 : index
    %get3A_131 = vector.load %arg5[%get3A_129, %get3A_130] : memref<8x96xf32, #tpu.memory_space<vmem>>, vector<1x96xf32>
    %get3A_132 = vector.shape_cast %get3A_131 : vector<1x96xf32> to vector<96xf32>
    %broadcast_in_dim3A_133 = vector.shape_cast %get3A_132 : vector<96xf32> to vector<1x96xf32>
    %add3A_134 = vector.broadcast %broadcast_in_dim3A_133 : vector<1x96xf32> to vector<1024x96xf32>
    %add3A_135 = arith.addf %dot_general3A_128, %add3A_134 : vector<1024x96xf32>
    %mul3A_136 = arith.constant 5.000000e-01 : f32
    %mul3A_137 = vector.broadcast %mul3A_136 : f32 to vector<1024x96xf32>
    %mul3A_138 = arith.mulf %mul3A_137, %add3A_135 : vector<1024x96xf32>
    %mul3A_139 = arith.constant 0.707106769 : f32
    %mul3A_140 = vector.broadcast %mul3A_139 : f32 to vector<1024x96xf32>
    %mul3A_141 = arith.mulf %add3A_135, %mul3A_140 : vector<1024x96xf32>
    %erf3A_142 = math.erf %mul3A_141 : vector<1024x96xf32>
    %add3A_143 = arith.constant 1.000000e+00 : f32
    %add3A_144 = vector.broadcast %add3A_143 : f32 to vector<1024x96xf32>
    %add3A_145 = arith.addf %add3A_144, %erf3A_142 : vector<1024x96xf32>
    %mul3A_146 = arith.mulf %mul3A_138, %add3A_145 : vector<1024x96xf32>
    %get3A_147 = arith.index_cast %get3A_112 : i32 to index
    %get3A_148 = arith.constant 0 : index
    %get3A_149 = arith.constant 0 : index
    %get3A_150 = vector.load %arg6[%get3A_147, %get3A_148, %get3A_149] : memref<8x96x96xf32, #tpu.memory_space<vmem>>, vector<1x96x96xf32>
    %get3A_151 = vector.shape_cast %get3A_150 : vector<1x96x96xf32> to vector<96x96xf32>
    %dot_general3A_152 = arith.constant dense<0.000000e+00> : vector<1024x96xf32>
    %dot_general3A_153 = tpu.matmul %mul3A_146, %get3A_151, %dot_general3A_152 {dimension_numbers = #tpu.dot_dimension_numbers<[1], [0], [0], [1], [0, 0, 1, 1], [], []>, transpose_lhs_hint = false} : vector<1024x96xf32>, vector<96x96xf32>, vector<1024x96xf32> -> vector<1024x96xf32>
    %get3A_154 = arith.index_cast %get3A_112 : i32 to index
    %get3A_155 = arith.constant 0 : index
    %get3A_156 = vector.load %arg7[%get3A_154, %get3A_155] : memref<8x96xf32, #tpu.memory_space<vmem>>, vector<1x96xf32>
    %get3A_157 = vector.shape_cast %get3A_156 : vector<1x96xf32> to vector<96xf32>
    %broadcast_in_dim3A_158 = vector.shape_cast %get3A_157 : vector<96xf32> to vector<1x96xf32>
    %add3A_159 = vector.broadcast %broadcast_in_dim3A_158 : vector<1x96xf32> to vector<1024x96xf32>
    %add3A_160 = arith.addf %dot_general3A_153, %add3A_159 : vector<1024x96xf32>
    %mul3A_161 = vector.broadcast %get3A_118 : f32 to vector<1024x96xf32>
    %mul3A_162 = arith.mulf %mul3A_161, %add3A_160 : vector<1024x96xf32>
    %get3A_163 = arith.index_cast %get3A_115 : i32 to index
    %get3A_164 = arith.constant 0 : index
    %get3A_165 = arith.constant 0 : index
    %get3A_166 = vector.load %arg4[%get3A_163, %get3A_164, %get3A_165] : memref<8x96x96xf32, #tpu.memory_space<vmem>>, vector<1x96x96xf32>
    %get3A_167 = vector.shape_cast %get3A_166 : vector<1x96x96xf32> to vector<96x96xf32>
    %dot_general3A_168 = arith.constant dense<0.000000e+00> : vector<1024x96xf32>
    %dot_general3A_169 = tpu.matmul %get3A_109, %get3A_167, %dot_general3A_168 {dimension_numbers = #tpu.dot_dimension_numbers<[1], [0], [0], [1], [0, 0, 1, 1], [], []>, transpose_lhs_hint = false} : vector<1024x96xf32>, vector<96x96xf32>, vector<1024x96xf32> -> vector<1024x96xf32>
    %get3A_170 = arith.index_cast %get3A_115 : i32 to index
    %get3A_171 = arith.constant 0 : index
    %get3A_172 = vector.load %arg5[%get3A_170, %get3A_171] : memref<8x96xf32, #tpu.memory_space<vmem>>, vector<1x96xf32>
    %get3A_173 = vector.shape_cast %get3A_172 : vector<1x96xf32> to vector<96xf32>
    %broadcast_in_dim3A_174 = vector.shape_cast %get3A_173 : vector<96xf32> to vector<1x96xf32>
    %add3A_175 = vector.broadcast %broadcast_in_dim3A_174 : vector<1x96xf32> to vector<1024x96xf32>
    %add3A_176 = arith.addf %dot_general3A_169, %add3A_175 : vector<1024x96xf32>
    %mul3A_177 = arith.constant 5.000000e-01 : f32
    %mul3A_178 = vector.broadcast %mul3A_177 : f32 to vector<1024x96xf32>
    %mul3A_179 = arith.mulf %mul3A_178, %add3A_176 : vector<1024x96xf32>
    %mul3A_180 = arith.constant 0.707106769 : f32
    %mul3A_181 = vector.broadcast %mul3A_180 : f32 to vector<1024x96xf32>
    %mul3A_182 = arith.mulf %add3A_176, %mul3A_181 : vector<1024x96xf32>
    %erf3A_183 = math.erf %mul3A_182 : vector<1024x96xf32>
    %add3A_184 = arith.constant 1.000000e+00 : f32
    %add3A_185 = vector.broadcast %add3A_184 : f32 to vector<1024x96xf32>
    %add3A_186 = arith.addf %add3A_185, %erf3A_183 : vector<1024x96xf32>
    %mul3A_187 = arith.mulf %mul3A_179, %add3A_186 : vector<1024x96xf32>
    %get3A_188 = arith.index_cast %get3A_115 : i32 to index
    %get3A_189 = arith.constant 0 : index
    %get3A_190 = arith.constant 0 : index
    %get3A_191 = vector.load %arg6[%get3A_188, %get3A_189, %get3A_190] : memref<8x96x96xf32, #tpu.memory_space<vmem>>, vector<1x96x96xf32>
    %get3A_192 = vector.shape_cast %get3A_191 : vector<1x96x96xf32> to vector<96x96xf32>
    %dot_general3A_193 = arith.constant dense<0.000000e+00> : vector<1024x96xf32>
    %dot_general3A_194 = tpu.matmul %mul3A_187, %get3A_192, %dot_general3A_193 {dimension_numbers = #tpu.dot_dimension_numbers<[1], [0], [0], [1], [0, 0, 1, 1], [], []>, transpose_lhs_hint = false} : vector<1024x96xf32>, vector<96x96xf32>, vector<1024x96xf32> -> vector<1024x96xf32>
    %get3A_195 = arith.index_cast %get3A_115 : i32 to index
    %get3A_196 = arith.constant 0 : index
    %get3A_197 = vector.load %arg7[%get3A_195, %get3A_196] : memref<8x96xf32, #tpu.memory_space<vmem>>, vector<1x96xf32>
    %get3A_198 = vector.shape_cast %get3A_197 : vector<1x96xf32> to vector<96xf32>
    %broadcast_in_dim3A_199 = vector.shape_cast %get3A_198 : vector<96xf32> to vector<1x96xf32>
    %add3A_200 = vector.broadcast %broadcast_in_dim3A_199 : vector<1x96xf32> to vector<1024x96xf32>
    %add3A_201 = arith.addf %dot_general3A_194, %add3A_200 : vector<1024x96xf32>
    %mul3A_202 = vector.broadcast %get3A_121 : f32 to vector<1024x96xf32>
    %mul3A_203 = arith.mulf %mul3A_202, %add3A_201 : vector<1024x96xf32>
    %add3A_204 = arith.addf %mul3A_162, %mul3A_203 : vector<1024x96xf32>
    %swap3A_205 = arith.constant 1 : index
    %swap3A_206 = arith.constant 0 : index
    %swap3A_207 = arith.constant 0 : index
    %swap3A_208 = vector.load %arg8[%swap3A_205, %swap3A_206, %swap3A_207] : memref<8x1024x96xf32, #tpu.memory_space<vmem>>, vector<1x1024x96xf32>
    %swap3A_209 = vector.shape_cast %swap3A_208 : vector<1x1024x96xf32> to vector<1024x96xf32>
    %swap3A_210 = vector.shape_cast %add3A_204 : vector<1024x96xf32> to vector<1x1024x96xf32>
    tpu.vector_store %arg8[%swap3A_205, %swap3A_206, %swap3A_207], %swap3A_210 {strides = array<i32>} : memref<8x1024x96xf32, #tpu.memory_space<vmem>>, vector<1x1024x96xf32>,
    %add3A_211 = arith.constant 2 : i32
    %add3A_212 = arith.addi %mul3A_0, %add3A_211 : i32
    %get3A_213 = arith.constant 2 : index
    %get3A_214 = arith.constant 0 : index
    %get3A_215 = arith.constant 0 : index
    %get3A_216 = vector.load %arg3[%get3A_213, %get3A_214, %get3A_215] : memref<8x1024x96xf32, #tpu.memory_space<vmem>>, vector<1x1024x96xf32>
    %get3A_217 = vector.shape_cast %get3A_216 : vector<1x1024x96xf32> to vector<1024x96xf32>
    %get3A_218 = arith.constant 0 : index
    %get3A_219 = arith.index_cast %add3A_212 : i32 to index
    %get3A_220 = memref.load %arg1[%get3A_218, %get3A_219] : memref<2x32xi32, #tpu.memory_space<smem>>
    %get3A_221 = arith.constant 1 : index
    %get3A_222 = arith.index_cast %add3A_212 : i32 to index
    %get3A_223 = memref.load %arg1[%get3A_221, %get3A_222] : memref<2x32xi32, #tpu.memory_space<smem>>
    %get3A_224 = arith.constant 0 : index
    %get3A_225 = arith.index_cast %add3A_212 : i32 to index
    %get3A_226 = memref.load %arg2[%get3A_224, %get3A_225] : memref<2x32xf32, #tpu.memory_space<smem>>
    %get3A_227 = arith.constant 1 : index
    %get3A_228 = arith.index_cast %add3A_212 : i32 to index
    %get3A_229 = memref.load %arg2[%get3A_227, %get3A_228] : memref<2x32xf32, #tpu.memory_space<smem>>
    %get3A_230 = arith.index_cast %get3A_220 : i32 to index
    %get3A_231 = arith.constant 0 : index
    %get3A_232 = arith.constant 0 : index
    %get3A_233 = vector.load %arg4[%get3A_230, %get3A_231, %get3A_232] : memref<8x96x96xf32, #tpu.memory_space<vmem>>, vector<1x96x96xf32>
    %get3A_234 = vector.shape_cast %get3A_233 : vector<1x96x96xf32> to vector<96x96xf32>
    %dot_general3A_235 = arith.constant dense<0.000000e+00> : vector<1024x96xf32>
    %dot_general3A_236 = tpu.matmul %get3A_217, %get3A_234, %dot_general3A_235 {dimension_numbers = #tpu.dot_dimension_numbers<[1], [0], [0], [1], [0, 0, 1, 1], [], []>, transpose_lhs_hint = false} : vector<1024x96xf32>, vector<96x96xf32>, vector<1024x96xf32> -> vector<1024x96xf32>
    %get3A_237 = arith.index_cast %get3A_220 : i32 to index
    %get3A_238 = arith.constant 0 : index
    %get3A_239 = vector.load %arg5[%get3A_237, %get3A_238] : memref<8x96xf32, #tpu.memory_space<vmem>>, vector<1x96xf32>
    %get3A_240 = vector.shape_cast %get3A_239 : vector<1x96xf32> to vector<96xf32>
    %broadcast_in_dim3A_241 = vector.shape_cast %get3A_240 : vector<96xf32> to vector<1x96xf32>
    %add3A_242 = vector.broadcast %broadcast_in_dim3A_241 : vector<1x96xf32> to vector<1024x96xf32>
    %add3A_243 = arith.addf %dot_general3A_236, %add3A_242 : vector<1024x96xf32>
    %mul3A_244 = arith.constant 5.000000e-01 : f32
    %mul3A_245 = vector.broadcast %mul3A_244 : f32 to vector<1024x96xf32>
    %mul3A_246 = arith.mulf %mul3A_245, %add3A_243 : vector<1024x96xf32>
    %mul3A_247 = arith.constant 0.707106769 : f32
    %mul3A_248 = vector.broadcast %mul3A_247 : f32 to vector<1024x96xf32>
    %mul3A_249 = arith.mulf %add3A_243, %mul3A_248 : vector<1024x96xf32>
    %erf3A_250 = math.erf %mul3A_249 : vector<1024x96xf32>
    %add3A_251 = arith.constant 1.000000e+00 : f32
    %add3A_252 = vector.broadcast %add3A_251 : f32 to vector<1024x96xf32>
    %add3A_253 = arith.addf %add3A_252, %erf3A_250 : vector<1024x96xf32>
    %mul3A_254 = arith.mulf %mul3A_246, %add3A_253 : vector<1024x96xf32>
    %get3A_255 = arith.index_cast %get3A_220 : i32 to index
    %get3A_256 = arith.constant 0 : index
    %get3A_257 = arith.constant 0 : index
    %get3A_258 = vector.load %arg6[%get3A_255, %get3A_256, %get3A_257] : memref<8x96x96xf32, #tpu.memory_space<vmem>>, vector<1x96x96xf32>
    %get3A_259 = vector.shape_cast %get3A_258 : vector<1x96x96xf32> to vector<96x96xf32>
    %dot_general3A_260 = arith.constant dense<0.000000e+00> : vector<1024x96xf32>
    %dot_general3A_261 = tpu.matmul %mul3A_254, %get3A_259, %dot_general3A_260 {dimension_numbers = #tpu.dot_dimension_numbers<[1], [0], [0], [1], [0, 0, 1, 1], [], []>, transpose_lhs_hint = false} : vector<1024x96xf32>, vector<96x96xf32>, vector<1024x96xf32> -> vector<1024x96xf32>
    %get3A_262 = arith.index_cast %get3A_220 : i32 to index
    %get3A_263 = arith.constant 0 : index
    %get3A_264 = vector.load %arg7[%get3A_262, %get3A_263] : memref<8x96xf32, #tpu.memory_space<vmem>>, vector<1x96xf32>
    %get3A_265 = vector.shape_cast %get3A_264 : vector<1x96xf32> to vector<96xf32>
    %broadcast_in_dim3A_266 = vector.shape_cast %get3A_265 : vector<96xf32> to vector<1x96xf32>
    %add3A_267 = vector.broadcast %broadcast_in_dim3A_266 : vector<1x96xf32> to vector<1024x96xf32>
    %add3A_268 = arith.addf %dot_general3A_261, %add3A_267 : vector<1024x96xf32>
    %mul3A_269 = vector.broadcast %get3A_226 : f32 to vector<1024x96xf32>
    %mul3A_270 = arith.mulf %mul3A_269, %add3A_268 : vector<1024x96xf32>
    %get3A_271 = arith.index_cast %get3A_223 : i32 to index
    %get3A_272 = arith.constant 0 : index
    %get3A_273 = arith.constant 0 : index
    %get3A_274 = vector.load %arg4[%get3A_271, %get3A_272, %get3A_273] : memref<8x96x96xf32, #tpu.memory_space<vmem>>, vector<1x96x96xf32>
    %get3A_275 = vector.shape_cast %get3A_274 : vector<1x96x96xf32> to vector<96x96xf32>
    %dot_general3A_276 = arith.constant dense<0.000000e+00> : vector<1024x96xf32>
    %dot_general3A_277 = tpu.matmul %get3A_217, %get3A_275, %dot_general3A_276 {dimension_numbers = #tpu.dot_dimension_numbers<[1], [0], [0], [1], [0, 0, 1, 1], [], []>, transpose_lhs_hint = false} : vector<1024x96xf32>, vector<96x96xf32>, vector<1024x96xf32> -> vector<1024x96xf32>
    %get3A_278 = arith.index_cast %get3A_223 : i32 to index
    %get3A_279 = arith.constant 0 : index
    %get3A_280 = vector.load %arg5[%get3A_278, %get3A_279] : memref<8x96xf32, #tpu.memory_space<vmem>>, vector<1x96xf32>
    %get3A_281 = vector.shape_cast %get3A_280 : vector<1x96xf32> to vector<96xf32>
    %broadcast_in_dim3A_282 = vector.shape_cast %get3A_281 : vector<96xf32> to vector<1x96xf32>
    %add3A_283 = vector.broadcast %broadcast_in_dim3A_282 : vector<1x96xf32> to vector<1024x96xf32>
    %add3A_284 = arith.addf %dot_general3A_277, %add3A_283 : vector<1024x96xf32>
    %mul3A_285 = arith.constant 5.000000e-01 : f32
    %mul3A_286 = vector.broadcast %mul3A_285 : f32 to vector<1024x96xf32>
    %mul3A_287 = arith.mulf %mul3A_286, %add3A_284 : vector<1024x96xf32>
    %mul3A_288 = arith.constant 0.707106769 : f32
    %mul3A_289 = vector.broadcast %mul3A_288 : f32 to vector<1024x96xf32>
    %mul3A_290 = arith.mulf %add3A_284, %mul3A_289 : vector<1024x96xf32>
    %erf3A_291 = math.erf %mul3A_290 : vector<1024x96xf32>
    %add3A_292 = arith.constant 1.000000e+00 : f32
    %add3A_293 = vector.broadcast %add3A_292 : f32 to vector<1024x96xf32>
    %add3A_294 = arith.addf %add3A_293, %erf3A_291 : vector<1024x96xf32>
    %mul3A_295 = arith.mulf %mul3A_287, %add3A_294 : vector<1024x96xf32>
    %get3A_296 = arith.index_cast %get3A_223 : i32 to index
    %get3A_297 = arith.constant 0 : index
    %get3A_298 = arith.constant 0 : index
    %get3A_299 = vector.load %arg6[%get3A_296, %get3A_297, %get3A_298] : memref<8x96x96xf32, #tpu.memory_space<vmem>>, vector<1x96x96xf32>
    %get3A_300 = vector.shape_cast %get3A_299 : vector<1x96x96xf32> to vector<96x96xf32>
    %dot_general3A_301 = arith.constant dense<0.000000e+00> : vector<1024x96xf32>
    %dot_general3A_302 = tpu.matmul %mul3A_295, %get3A_300, %dot_general3A_301 {dimension_numbers = #tpu.dot_dimension_numbers<[1], [0], [0], [1], [0, 0, 1, 1], [], []>, transpose_lhs_hint = false} : vector<1024x96xf32>, vector<96x96xf32>, vector<1024x96xf32> -> vector<1024x96xf32>
    %get3A_303 = arith.index_cast %get3A_223 : i32 to index
    %get3A_304 = arith.constant 0 : index
    %get3A_305 = vector.load %arg7[%get3A_303, %get3A_304] : memref<8x96xf32, #tpu.memory_space<vmem>>, vector<1x96xf32>
    %get3A_306 = vector.shape_cast %get3A_305 : vector<1x96xf32> to vector<96xf32>
    %broadcast_in_dim3A_307 = vector.shape_cast %get3A_306 : vector<96xf32> to vector<1x96xf32>
    %add3A_308 = vector.broadcast %broadcast_in_dim3A_307 : vector<1x96xf32> to vector<1024x96xf32>
    %add3A_309 = arith.addf %dot_general3A_302, %add3A_308 : vector<1024x96xf32>
    %mul3A_310 = vector.broadcast %get3A_229 : f32 to vector<1024x96xf32>
    %mul3A_311 = arith.mulf %mul3A_310, %add3A_309 : vector<1024x96xf32>
    %add3A_312 = arith.addf %mul3A_270, %mul3A_311 : vector<1024x96xf32>
    %swap3A_313 = arith.constant 2 : index
    %swap3A_314 = arith.constant 0 : index
    %swap3A_315 = arith.constant 0 : index
    %swap3A_316 = vector.load %arg8[%swap3A_313, %swap3A_314, %swap3A_315] : memref<8x1024x96xf32, #tpu.memory_space<vmem>>, vector<1x1024x96xf32>
    %swap3A_317 = vector.shape_cast %swap3A_316 : vector<1x1024x96xf32> to vector<1024x96xf32>
    %swap3A_318 = vector.shape_cast %add3A_312 : vector<1024x96xf32> to vector<1x1024x96xf32>
    tpu.vector_store %arg8[%swap3A_313, %swap3A_314, %swap3A_315], %swap3A_318 {strides = array<i32>} : memref<8x1024x96xf32, #tpu.memory_space<vmem>>, vector<1x1024x96xf32>,
    %add3A_319 = arith.constant 3 : i32
    %add3A_320 = arith.addi %mul3A_0, %add3A_319 : i32
    %get3A_321 = arith.constant 3 : index
    %get3A_322 = arith.constant 0 : index
    %get3A_323 = arith.constant 0 : index
    %get3A_324 = vector.load %arg3[%get3A_321, %get3A_322, %get3A_323] : memref<8x1024x96xf32, #tpu.memory_space<vmem>>, vector<1x1024x96xf32>
    %get3A_325 = vector.shape_cast %get3A_324 : vector<1x1024x96xf32> to vector<1024x96xf32>
    %get3A_326 = arith.constant 0 : index
    %get3A_327 = arith.index_cast %add3A_320 : i32 to index
    %get3A_328 = memref.load %arg1[%get3A_326, %get3A_327] : memref<2x32xi32, #tpu.memory_space<smem>>
    %get3A_329 = arith.constant 1 : index
    %get3A_330 = arith.index_cast %add3A_320 : i32 to index
    %get3A_331 = memref.load %arg1[%get3A_329, %get3A_330] : memref<2x32xi32, #tpu.memory_space<smem>>
    %get3A_332 = arith.constant 0 : index
    %get3A_333 = arith.index_cast %add3A_320 : i32 to index
    %get3A_334 = memref.load %arg2[%get3A_332, %get3A_333] : memref<2x32xf32, #tpu.memory_space<smem>>
    %get3A_335 = arith.constant 1 : index
    %get3A_336 = arith.index_cast %add3A_320 : i32 to index
    %get3A_337 = memref.load %arg2[%get3A_335, %get3A_336] : memref<2x32xf32, #tpu.memory_space<smem>>
    %get3A_338 = arith.index_cast %get3A_328 : i32 to index
    %get3A_339 = arith.constant 0 : index
    %get3A_340 = arith.constant 0 : index
    %get3A_341 = vector.load %arg4[%get3A_338, %get3A_339, %get3A_340] : memref<8x96x96xf32, #tpu.memory_space<vmem>>, vector<1x96x96xf32>
    %get3A_342 = vector.shape_cast %get3A_341 : vector<1x96x96xf32> to vector<96x96xf32>
    %dot_general3A_343 = arith.constant dense<0.000000e+00> : vector<1024x96xf32>
    %dot_general3A_344 = tpu.matmul %get3A_325, %get3A_342, %dot_general3A_343 {dimension_numbers = #tpu.dot_dimension_numbers<[1], [0], [0], [1], [0, 0, 1, 1], [], []>, transpose_lhs_hint = false} : vector<1024x96xf32>, vector<96x96xf32>, vector<1024x96xf32> -> vector<1024x96xf32>
    %get3A_345 = arith.index_cast %get3A_328 : i32 to index
    %get3A_346 = arith.constant 0 : index
    %get3A_347 = vector.load %arg5[%get3A_345, %get3A_346] : memref<8x96xf32, #tpu.memory_space<vmem>>, vector<1x96xf32>
    %get3A_348 = vector.shape_cast %get3A_347 : vector<1x96xf32> to vector<96xf32>
    %broadcast_in_dim3A_349 = vector.shape_cast %get3A_348 : vector<96xf32> to vector<1x96xf32>
    %add3A_350 = vector.broadcast %broadcast_in_dim3A_349 : vector<1x96xf32> to vector<1024x96xf32>
    %add3A_351 = arith.addf %dot_general3A_344, %add3A_350 : vector<1024x96xf32>
    %mul3A_352 = arith.constant 5.000000e-01 : f32
    %mul3A_353 = vector.broadcast %mul3A_352 : f32 to vector<1024x96xf32>
    %mul3A_354 = arith.mulf %mul3A_353, %add3A_351 : vector<1024x96xf32>
    %mul3A_355 = arith.constant 0.707106769 : f32
    %mul3A_356 = vector.broadcast %mul3A_355 : f32 to vector<1024x96xf32>
    %mul3A_357 = arith.mulf %add3A_351, %mul3A_356 : vector<1024x96xf32>
    %erf3A_358 = math.erf %mul3A_357 : vector<1024x96xf32>
    %add3A_359 = arith.constant 1.000000e+00 : f32
    %add3A_360 = vector.broadcast %add3A_359 : f32 to vector<1024x96xf32>
    %add3A_361 = arith.addf %add3A_360, %erf3A_358 : vector<1024x96xf32>
    %mul3A_362 = arith.mulf %mul3A_354, %add3A_361 : vector<1024x96xf32>
    %get3A_363 = arith.index_cast %get3A_328 : i32 to index
    %get3A_364 = arith.constant 0 : index
    %get3A_365 = arith.constant 0 : index
    %get3A_366 = vector.load %arg6[%get3A_363, %get3A_364, %get3A_365] : memref<8x96x96xf32, #tpu.memory_space<vmem>>, vector<1x96x96xf32>
    %get3A_367 = vector.shape_cast %get3A_366 : vector<1x96x96xf32> to vector<96x96xf32>
    %dot_general3A_368 = arith.constant dense<0.000000e+00> : vector<1024x96xf32>
    %dot_general3A_369 = tpu.matmul %mul3A_362, %get3A_367, %dot_general3A_368 {dimension_numbers = #tpu.dot_dimension_numbers<[1], [0], [0], [1], [0, 0, 1, 1], [], []>, transpose_lhs_hint = false} : vector<1024x96xf32>, vector<96x96xf32>, vector<1024x96xf32> -> vector<1024x96xf32>
    %get3A_370 = arith.index_cast %get3A_328 : i32 to index
    %get3A_371 = arith.constant 0 : index
    %get3A_372 = vector.load %arg7[%get3A_370, %get3A_371] : memref<8x96xf32, #tpu.memory_space<vmem>>, vector<1x96xf32>
    %get3A_373 = vector.shape_cast %get3A_372 : vector<1x96xf32> to vector<96xf32>
    %broadcast_in_dim3A_374 = vector.shape_cast %get3A_373 : vector<96xf32> to vector<1x96xf32>
    %add3A_375 = vector.broadcast %broadcast_in_dim3A_374 : vector<1x96xf32> to vector<1024x96xf32>
    %add3A_376 = arith.addf %dot_general3A_369, %add3A_375 : vector<1024x96xf32>
    %mul3A_377 = vector.broadcast %get3A_334 : f32 to vector<1024x96xf32>
    %mul3A_378 = arith.mulf %mul3A_377, %add3A_376 : vector<1024x96xf32>
    %get3A_379 = arith.index_cast %get3A_331 : i32 to index
    %get3A_380 = arith.constant 0 : index
    %get3A_381 = arith.constant 0 : index
    %get3A_382 = vector.load %arg4[%get3A_379, %get3A_380, %get3A_381] : memref<8x96x96xf32, #tpu.memory_space<vmem>>, vector<1x96x96xf32>
    %get3A_383 = vector.shape_cast %get3A_382 : vector<1x96x96xf32> to vector<96x96xf32>
    %dot_general3A_384 = arith.constant dense<0.000000e+00> : vector<1024x96xf32>
    %dot_general3A_385 = tpu.matmul %get3A_325, %get3A_383, %dot_general3A_384 {dimension_numbers = #tpu.dot_dimension_numbers<[1], [0], [0], [1], [0, 0, 1, 1], [], []>, transpose_lhs_hint = false} : vector<1024x96xf32>, vector<96x96xf32>, vector<1024x96xf32> -> vector<1024x96xf32>
    %get3A_386 = arith.index_cast %get3A_331 : i32 to index
    %get3A_387 = arith.constant 0 : index
    %get3A_388 = vector.load %arg5[%get3A_386, %get3A_387] : memref<8x96xf32, #tpu.memory_space<vmem>>, vector<1x96xf32>
    %get3A_389 = vector.shape_cast %get3A_388 : vector<1x96xf32> to vector<96xf32>
    %broadcast_in_dim3A_390 = vector.shape_cast %get3A_389 : vector<96xf32> to vector<1x96xf32>
    %add3A_391 = vector.broadcast %broadcast_in_dim3A_390 : vector<1x96xf32> to vector<1024x96xf32>
    %add3A_392 = arith.addf %dot_general3A_385, %add3A_391 : vector<1024x96xf32>
    %mul3A_393 = arith.constant 5.000000e-01 : f32
    %mul3A_394 = vector.broadcast %mul3A_393 : f32 to vector<1024x96xf32>
    %mul3A_395 = arith.mulf %mul3A_394, %add3A_392 : vector<1024x96xf32>
    %mul3A_396 = arith.constant 0.707106769 : f32
    %mul3A_397 = vector.broadcast %mul3A_396 : f32 to vector<1024x96xf32>
    %mul3A_398 = arith.mulf %add3A_392, %mul3A_397 : vector<1024x96xf32>
    %erf3A_399 = math.erf %mul3A_398 : vector<1024x96xf32>
    %add3A_400 = arith.constant 1.000000e+00 : f32
    %add3A_401 = vector.broadcast %add3A_400 : f32 to vector<1024x96xf32>
    %add3A_402 = arith.addf %add3A_401, %erf3A_399 : vector<1024x96xf32>
    %mul3A_403 = arith.mulf %mul3A_395, %add3A_402 : vector<1024x96xf32>
    %get3A_404 = arith.index_cast %get3A_331 : i32 to index
    %get3A_405 = arith.constant 0 : index
    %get3A_406 = arith.constant 0 : index
    %get3A_407 = vector.load %arg6[%get3A_404, %get3A_405, %get3A_406] : memref<8x96x96xf32, #tpu.memory_space<vmem>>, vector<1x96x96xf32>
    %get3A_408 = vector.shape_cast %get3A_407 : vector<1x96x96xf32> to vector<96x96xf32>
    %dot_general3A_409 = arith.constant dense<0.000000e+00> : vector<1024x96xf32>
    %dot_general3A_410 = tpu.matmul %mul3A_403, %get3A_408, %dot_general3A_409 {dimension_numbers = #tpu.dot_dimension_numbers<[1], [0], [0], [1], [0, 0, 1, 1], [], []>, transpose_lhs_hint = false} : vector<1024x96xf32>, vector<96x96xf32>, vector<1024x96xf32> -> vector<1024x96xf32>
    %get3A_411 = arith.index_cast %get3A_331 : i32 to index
    %get3A_412 = arith.constant 0 : index
    %get3A_413 = vector.load %arg7[%get3A_411, %get3A_412] : memref<8x96xf32, #tpu.memory_space<vmem>>, vector<1x96xf32>
    %get3A_414 = vector.shape_cast %get3A_413 : vector<1x96xf32> to vector<96xf32>
    %broadcast_in_dim3A_415 = vector.shape_cast %get3A_414 : vector<96xf32> to vector<1x96xf32>
    %add3A_416 = vector.broadcast %broadcast_in_dim3A_415 : vector<1x96xf32> to vector<1024x96xf32>
    %add3A_417 = arith.addf %dot_general3A_410, %add3A_416 : vector<1024x96xf32>
    %mul3A_418 = vector.broadcast %get3A_337 : f32 to vector<1024x96xf32>
    %mul3A_419 = arith.mulf %mul3A_418, %add3A_417 : vector<1024x96xf32>
    %add3A_420 = arith.addf %mul3A_378, %mul3A_419 : vector<1024x96xf32>
    %swap3A_421 = arith.constant 3 : index
    %swap3A_422 = arith.constant 0 : index
    %swap3A_423 = arith.constant 0 : index
    %swap3A_424 = vector.load %arg8[%swap3A_421, %swap3A_422, %swap3A_423] : memref<8x1024x96xf32, #tpu.memory_space<vmem>>, vector<1x1024x96xf32>
    %swap3A_425 = vector.shape_cast %swap3A_424 : vector<1x1024x96xf32> to vector<1024x96xf32>
    %swap3A_426 = vector.shape_cast %add3A_420 : vector<1024x96xf32> to vector<1x1024x96xf32>
    tpu.vector_store %arg8[%swap3A_421, %swap3A_422, %swap3A_423], %swap3A_426 {strides = array<i32>} : memref<8x1024x96xf32, #tpu.memory_space<vmem>>, vector<1x1024x96xf32>,
    %add3A_427 = arith.constant 4 : i32
    %add3A_428 = arith.addi %mul3A_0, %add3A_427 : i32
    %get3A_429 = arith.constant 4 : index
    %get3A_430 = arith.constant 0 : index
    %get3A_431 = arith.constant 0 : index
    %get3A_432 = vector.load %arg3[%get3A_429, %get3A_430, %get3A_431] : memref<8x1024x96xf32, #tpu.memory_space<vmem>>, vector<1x1024x96xf32>
    %get3A_433 = vector.shape_cast %get3A_432 : vector<1x1024x96xf32> to vector<1024x96xf32>
    %get3A_434 = arith.constant 0 : index
    %get3A_435 = arith.index_cast %add3A_428 : i32 to index
    %get3A_436 = memref.load %arg1[%get3A_434, %get3A_435] : memref<2x32xi32, #tpu.memory_space<smem>>
    %get3A_437 = arith.constant 1 : index
    %get3A_438 = arith.index_cast %add3A_428 : i32 to index
    %get3A_439 = memref.load %arg1[%get3A_437, %get3A_438] : memref<2x32xi32, #tpu.memory_space<smem>>
    %get3A_440 = arith.constant 0 : index
    %get3A_441 = arith.index_cast %add3A_428 : i32 to index
    %get3A_442 = memref.load %arg2[%get3A_440, %get3A_441] : memref<2x32xf32, #tpu.memory_space<smem>>
    %get3A_443 = arith.constant 1 : index
    %get3A_444 = arith.index_cast %add3A_428 : i32 to index
    %get3A_445 = memref.load %arg2[%get3A_443, %get3A_444] : memref<2x32xf32, #tpu.memory_space<smem>>
    %get3A_446 = arith.index_cast %get3A_436 : i32 to index
    %get3A_447 = arith.constant 0 : index
    %get3A_448 = arith.constant 0 : index
    %get3A_449 = vector.load %arg4[%get3A_446, %get3A_447, %get3A_448] : memref<8x96x96xf32, #tpu.memory_space<vmem>>, vector<1x96x96xf32>
    %get3A_450 = vector.shape_cast %get3A_449 : vector<1x96x96xf32> to vector<96x96xf32>
    %dot_general3A_451 = arith.constant dense<0.000000e+00> : vector<1024x96xf32>
    %dot_general3A_452 = tpu.matmul %get3A_433, %get3A_450, %dot_general3A_451 {dimension_numbers = #tpu.dot_dimension_numbers<[1], [0], [0], [1], [0, 0, 1, 1], [], []>, transpose_lhs_hint = false} : vector<1024x96xf32>, vector<96x96xf32>, vector<1024x96xf32> -> vector<1024x96xf32>
    %get3A_453 = arith.index_cast %get3A_436 : i32 to index
    %get3A_454 = arith.constant 0 : index
    %get3A_455 = vector.load %arg5[%get3A_453, %get3A_454] : memref<8x96xf32, #tpu.memory_space<vmem>>, vector<1x96xf32>
    %get3A_456 = vector.shape_cast %get3A_455 : vector<1x96xf32> to vector<96xf32>
    %broadcast_in_dim3A_457 = vector.shape_cast %get3A_456 : vector<96xf32> to vector<1x96xf32>
    %add3A_458 = vector.broadcast %broadcast_in_dim3A_457 : vector<1x96xf32> to vector<1024x96xf32>
    %add3A_459 = arith.addf %dot_general3A_452, %add3A_458 : vector<1024x96xf32>
    %mul3A_460 = arith.constant 5.000000e-01 : f32
    %mul3A_461 = vector.broadcast %mul3A_460 : f32 to vector<1024x96xf32>
    %mul3A_462 = arith.mulf %mul3A_461, %add3A_459 : vector<1024x96xf32>
    %mul3A_463 = arith.constant 0.707106769 : f32
    %mul3A_464 = vector.broadcast %mul3A_463 : f32 to vector<1024x96xf32>
    %mul3A_465 = arith.mulf %add3A_459, %mul3A_464 : vector<1024x96xf32>
    %erf3A_466 = math.erf %mul3A_465 : vector<1024x96xf32>
    %add3A_467 = arith.constant 1.000000e+00 : f32
    %add3A_468 = vector.broadcast %add3A_467 : f32 to vector<1024x96xf32>
    %add3A_469 = arith.addf %add3A_468, %erf3A_466 : vector<1024x96xf32>
    %mul3A_470 = arith.mulf %mul3A_462, %add3A_469 : vector<1024x96xf32>
    %get3A_471 = arith.index_cast %get3A_436 : i32 to index
    %get3A_472 = arith.constant 0 : index
    %get3A_473 = arith.constant 0 : index
    %get3A_474 = vector.load %arg6[%get3A_471, %get3A_472, %get3A_473] : memref<8x96x96xf32, #tpu.memory_space<vmem>>, vector<1x96x96xf32>
    %get3A_475 = vector.shape_cast %get3A_474 : vector<1x96x96xf32> to vector<96x96xf32>
    %dot_general3A_476 = arith.constant dense<0.000000e+00> : vector<1024x96xf32>
    %dot_general3A_477 = tpu.matmul %mul3A_470, %get3A_475, %dot_general3A_476 {dimension_numbers = #tpu.dot_dimension_numbers<[1], [0], [0], [1], [0, 0, 1, 1], [], []>, transpose_lhs_hint = false} : vector<1024x96xf32>, vector<96x96xf32>, vector<1024x96xf32> -> vector<1024x96xf32>
    %get3A_478 = arith.index_cast %get3A_436 : i32 to index
    %get3A_479 = arith.constant 0 : index
    %get3A_480 = vector.load %arg7[%get3A_478, %get3A_479] : memref<8x96xf32, #tpu.memory_space<vmem>>, vector<1x96xf32>
    %get3A_481 = vector.shape_cast %get3A_480 : vector<1x96xf32> to vector<96xf32>
    %broadcast_in_dim3A_482 = vector.shape_cast %get3A_481 : vector<96xf32> to vector<1x96xf32>
    %add3A_483 = vector.broadcast %broadcast_in_dim3A_482 : vector<1x96xf32> to vector<1024x96xf32>
    %add3A_484 = arith.addf %dot_general3A_477, %add3A_483 : vector<1024x96xf32>
    %mul3A_485 = vector.broadcast %get3A_442 : f32 to vector<1024x96xf32>
    %mul3A_486 = arith.mulf %mul3A_485, %add3A_484 : vector<1024x96xf32>
    %get3A_487 = arith.index_cast %get3A_439 : i32 to index
    %get3A_488 = arith.constant 0 : index
    %get3A_489 = arith.constant 0 : index
    %get3A_490 = vector.load %arg4[%get3A_487, %get3A_488, %get3A_489] : memref<8x96x96xf32, #tpu.memory_space<vmem>>, vector<1x96x96xf32>
    %get3A_491 = vector.shape_cast %get3A_490 : vector<1x96x96xf32> to vector<96x96xf32>
    %dot_general3A_492 = arith.constant dense<0.000000e+00> : vector<1024x96xf32>
    %dot_general3A_493 = tpu.matmul %get3A_433, %get3A_491, %dot_general3A_492 {dimension_numbers = #tpu.dot_dimension_numbers<[1], [0], [0], [1], [0, 0, 1, 1], [], []>, transpose_lhs_hint = false} : vector<1024x96xf32>, vector<96x96xf32>, vector<1024x96xf32> -> vector<1024x96xf32>
    %get3A_494 = arith.index_cast %get3A_439 : i32 to index
    %get3A_495 = arith.constant 0 : index
    %get3A_496 = vector.load %arg5[%get3A_494, %get3A_495] : memref<8x96xf32, #tpu.memory_space<vmem>>, vector<1x96xf32>
    %get3A_497 = vector.shape_cast %get3A_496 : vector<1x96xf32> to vector<96xf32>
    %broadcast_in_dim3A_498 = vector.shape_cast %get3A_497 : vector<96xf32> to vector<1x96xf32>
    %add3A_499 = vector.broadcast %broadcast_in_dim3A_498 : vector<1x96xf32> to vector<1024x96xf32>
    %add3A_500 = arith.addf %dot_general3A_493, %add3A_499 : vector<1024x96xf32>
    %mul3A_501 = arith.constant 5.000000e-01 : f32
    %mul3A_502 = vector.broadcast %mul3A_501 : f32 to vector<1024x96xf32>
    %mul3A_503 = arith.mulf %mul3A_502, %add3A_500 : vector<1024x96xf32>
    %mul3A_504 = arith.constant 0.707106769 : f32
    %mul3A_505 = vector.broadcast %mul3A_504 : f32 to vector<1024x96xf32>
    %mul3A_506 = arith.mulf %add3A_500, %mul3A_505 : vector<1024x96xf32>
    %erf3A_507 = math.erf %mul3A_506 : vector<1024x96xf32>
    %add3A_508 = arith.constant 1.000000e+00 : f32
    %add3A_509 = vector.broadcast %add3A_508 : f32 to vector<1024x96xf32>
    %add3A_510 = arith.addf %add3A_509, %erf3A_507 : vector<1024x96xf32>
    %mul3A_511 = arith.mulf %mul3A_503, %add3A_510 : vector<1024x96xf32>
    %get3A_512 = arith.index_cast %get3A_439 : i32 to index
    %get3A_513 = arith.constant 0 : index
    %get3A_514 = arith.constant 0 : index
    %get3A_515 = vector.load %arg6[%get3A_512, %get3A_513, %get3A_514] : memref<8x96x96xf32, #tpu.memory_space<vmem>>, vector<1x96x96xf32>
    %get3A_516 = vector.shape_cast %get3A_515 : vector<1x96x96xf32> to vector<96x96xf32>
    %dot_general3A_517 = arith.constant dense<0.000000e+00> : vector<1024x96xf32>
    %dot_general3A_518 = tpu.matmul %mul3A_511, %get3A_516, %dot_general3A_517 {dimension_numbers = #tpu.dot_dimension_numbers<[1], [0], [0], [1], [0, 0, 1, 1], [], []>, transpose_lhs_hint = false} : vector<1024x96xf32>, vector<96x96xf32>, vector<1024x96xf32> -> vector<1024x96xf32>
    %get3A_519 = arith.index_cast %get3A_439 : i32 to index
    %get3A_520 = arith.constant 0 : index
    %get3A_521 = vector.load %arg7[%get3A_519, %get3A_520] : memref<8x96xf32, #tpu.memory_space<vmem>>, vector<1x96xf32>
    %get3A_522 = vector.shape_cast %get3A_521 : vector<1x96xf32> to vector<96xf32>
    %broadcast_in_dim3A_523 = vector.shape_cast %get3A_522 : vector<96xf32> to vector<1x96xf32>
    %add3A_524 = vector.broadcast %broadcast_in_dim3A_523 : vector<1x96xf32> to vector<1024x96xf32>
    %add3A_525 = arith.addf %dot_general3A_518, %add3A_524 : vector<1024x96xf32>
    %mul3A_526 = vector.broadcast %get3A_445 : f32 to vector<1024x96xf32>
    %mul3A_527 = arith.mulf %mul3A_526, %add3A_525 : vector<1024x96xf32>
    %add3A_528 = arith.addf %mul3A_486, %mul3A_527 : vector<1024x96xf32>
    %swap3A_529 = arith.constant 4 : index
    %swap3A_530 = arith.constant 0 : index
    %swap3A_531 = arith.constant 0 : index
    %swap3A_532 = vector.load %arg8[%swap3A_529, %swap3A_530, %swap3A_531] : memref<8x1024x96xf32, #tpu.memory_space<vmem>>, vector<1x1024x96xf32>
    %swap3A_533 = vector.shape_cast %swap3A_532 : vector<1x1024x96xf32> to vector<1024x96xf32>
    %swap3A_534 = vector.shape_cast %add3A_528 : vector<1024x96xf32> to vector<1x1024x96xf32>
    tpu.vector_store %arg8[%swap3A_529, %swap3A_530, %swap3A_531], %swap3A_534 {strides = array<i32>} : memref<8x1024x96xf32, #tpu.memory_space<vmem>>, vector<1x1024x96xf32>,
    %add3A_535 = arith.constant 5 : i32
    %add3A_536 = arith.addi %mul3A_0, %add3A_535 : i32
    %get3A_537 = arith.constant 5 : index
    %get3A_538 = arith.constant 0 : index
    %get3A_539 = arith.constant 0 : index
    %get3A_540 = vector.load %arg3[%get3A_537, %get3A_538, %get3A_539] : memref<8x1024x96xf32, #tpu.memory_space<vmem>>, vector<1x1024x96xf32>
    %get3A_541 = vector.shape_cast %get3A_540 : vector<1x1024x96xf32> to vector<1024x96xf32>
    %get3A_542 = arith.constant 0 : index
    %get3A_543 = arith.index_cast %add3A_536 : i32 to index
    %get3A_544 = memref.load %arg1[%get3A_542, %get3A_543] : memref<2x32xi32, #tpu.memory_space<smem>>
    %get3A_545 = arith.constant 1 : index
    %get3A_546 = arith.index_cast %add3A_536 : i32 to index
    %get3A_547 = memref.load %arg1[%get3A_545, %get3A_546] : memref<2x32xi32, #tpu.memory_space<smem>>
    %get3A_548 = arith.constant 0 : index
    %get3A_549 = arith.index_cast %add3A_536 : i32 to index
    %get3A_550 = memref.load %arg2[%get3A_548, %get3A_549] : memref<2x32xf32, #tpu.memory_space<smem>>
    %get3A_551 = arith.constant 1 : index
    %get3A_552 = arith.index_cast %add3A_536 : i32 to index
    %get3A_553 = memref.load %arg2[%get3A_551, %get3A_552] : memref<2x32xf32, #tpu.memory_space<smem>>
    %get3A_554 = arith.index_cast %get3A_544 : i32 to index
    %get3A_555 = arith.constant 0 : index
    %get3A_556 = arith.constant 0 : index
    %get3A_557 = vector.load %arg4[%get3A_554, %get3A_555, %get3A_556] : memref<8x96x96xf32, #tpu.memory_space<vmem>>, vector<1x96x96xf32>
    %get3A_558 = vector.shape_cast %get3A_557 : vector<1x96x96xf32> to vector<96x96xf32>
    %dot_general3A_559 = arith.constant dense<0.000000e+00> : vector<1024x96xf32>
    %dot_general3A_560 = tpu.matmul %get3A_541, %get3A_558, %dot_general3A_559 {dimension_numbers = #tpu.dot_dimension_numbers<[1], [0], [0], [1], [0, 0, 1, 1], [], []>, transpose_lhs_hint = false} : vector<1024x96xf32>, vector<96x96xf32>, vector<1024x96xf32> -> vector<1024x96xf32>
    %get3A_561 = arith.index_cast %get3A_544 : i32 to index
    %get3A_562 = arith.constant 0 : index
    %get3A_563 = vector.load %arg5[%get3A_561, %get3A_562] : memref<8x96xf32, #tpu.memory_space<vmem>>, vector<1x96xf32>
    %get3A_564 = vector.shape_cast %get3A_563 : vector<1x96xf32> to vector<96xf32>
    %broadcast_in_dim3A_565 = vector.shape_cast %get3A_564 : vector<96xf32> to vector<1x96xf32>
    %add3A_566 = vector.broadcast %broadcast_in_dim3A_565 : vector<1x96xf32> to vector<1024x96xf32>
    %add3A_567 = arith.addf %dot_general3A_560, %add3A_566 : vector<1024x96xf32>
    %mul3A_568 = arith.constant 5.000000e-01 : f32
    %mul3A_569 = vector.broadcast %mul3A_568 : f32 to vector<1024x96xf32>
    %mul3A_570 = arith.mulf %mul3A_569, %add3A_567 : vector<1024x96xf32>
    %mul3A_571 = arith.constant 0.707106769 : f32
    %mul3A_572 = vector.broadcast %mul3A_571 : f32 to vector<1024x96xf32>
    %mul3A_573 = arith.mulf %add3A_567, %mul3A_572 : vector<1024x96xf32>
    %erf3A_574 = math.erf %mul3A_573 : vector<1024x96xf32>
    %add3A_575 = arith.constant 1.000000e+00 : f32
    %add3A_576 = vector.broadcast %add3A_575 : f32 to vector<1024x96xf32>
    %add3A_577 = arith.addf %add3A_576, %erf3A_574 : vector<1024x96xf32>
    %mul3A_578 = arith.mulf %mul3A_570, %add3A_577 : vector<1024x96xf32>
    %get3A_579 = arith.index_cast %get3A_544 : i32 to index
    %get3A_580 = arith.constant 0 : index
    %get3A_581 = arith.constant 0 : index
    %get3A_582 = vector.load %arg6[%get3A_579, %get3A_580, %get3A_581] : memref<8x96x96xf32, #tpu.memory_space<vmem>>, vector<1x96x96xf32>
    %get3A_583 = vector.shape_cast %get3A_582 : vector<1x96x96xf32> to vector<96x96xf32>
    %dot_general3A_584 = arith.constant dense<0.000000e+00> : vector<1024x96xf32>
    %dot_general3A_585 = tpu.matmul %mul3A_578, %get3A_583, %dot_general3A_584 {dimension_numbers = #tpu.dot_dimension_numbers<[1], [0], [0], [1], [0, 0, 1, 1], [], []>, transpose_lhs_hint = false} : vector<1024x96xf32>, vector<96x96xf32>, vector<1024x96xf32> -> vector<1024x96xf32>
    %get3A_586 = arith.index_cast %get3A_544 : i32 to index
    %get3A_587 = arith.constant 0 : index
    %get3A_588 = vector.load %arg7[%get3A_586, %get3A_587] : memref<8x96xf32, #tpu.memory_space<vmem>>, vector<1x96xf32>
    %get3A_589 = vector.shape_cast %get3A_588 : vector<1x96xf32> to vector<96xf32>
    %broadcast_in_dim3A_590 = vector.shape_cast %get3A_589 : vector<96xf32> to vector<1x96xf32>
    %add3A_591 = vector.broadcast %broadcast_in_dim3A_590 : vector<1x96xf32> to vector<1024x96xf32>
    %add3A_592 = arith.addf %dot_general3A_585, %add3A_591 : vector<1024x96xf32>
    %mul3A_593 = vector.broadcast %get3A_550 : f32 to vector<1024x96xf32>
    %mul3A_594 = arith.mulf %mul3A_593, %add3A_592 : vector<1024x96xf32>
    %get3A_595 = arith.index_cast %get3A_547 : i32 to index
    %get3A_596 = arith.constant 0 : index
    %get3A_597 = arith.constant 0 : index
    %get3A_598 = vector.load %arg4[%get3A_595, %get3A_596, %get3A_597] : memref<8x96x96xf32, #tpu.memory_space<vmem>>, vector<1x96x96xf32>
    %get3A_599 = vector.shape_cast %get3A_598 : vector<1x96x96xf32> to vector<96x96xf32>
    %dot_general3A_600 = arith.constant dense<0.000000e+00> : vector<1024x96xf32>
    %dot_general3A_601 = tpu.matmul %get3A_541, %get3A_599, %dot_general3A_600 {dimension_numbers = #tpu.dot_dimension_numbers<[1], [0], [0], [1], [0, 0, 1, 1], [], []>, transpose_lhs_hint = false} : vector<1024x96xf32>, vector<96x96xf32>, vector<1024x96xf32> -> vector<1024x96xf32>
    %get3A_602 = arith.index_cast %get3A_547 : i32 to index
    %get3A_603 = arith.constant 0 : index
    %get3A_604 = vector.load %arg5[%get3A_602, %get3A_603] : memref<8x96xf32, #tpu.memory_space<vmem>>, vector<1x96xf32>
    %get3A_605 = vector.shape_cast %get3A_604 : vector<1x96xf32> to vector<96xf32>
    %broadcast_in_dim3A_606 = vector.shape_cast %get3A_605 : vector<96xf32> to vector<1x96xf32>
    %add3A_607 = vector.broadcast %broadcast_in_dim3A_606 : vector<1x96xf32> to vector<1024x96xf32>
    %add3A_608 = arith.addf %dot_general3A_601, %add3A_607 : vector<1024x96xf32>
    %mul3A_609 = arith.constant 5.000000e-01 : f32
    %mul3A_610 = vector.broadcast %mul3A_609 : f32 to vector<1024x96xf32>
    %mul3A_611 = arith.mulf %mul3A_610, %add3A_608 : vector<1024x96xf32>
    %mul3A_612 = arith.constant 0.707106769 : f32
    %mul3A_613 = vector.broadcast %mul3A_612 : f32 to vector<1024x96xf32>
    %mul3A_614 = arith.mulf %add3A_608, %mul3A_613 : vector<1024x96xf32>
    %erf3A_615 = math.erf %mul3A_614 : vector<1024x96xf32>
    %add3A_616 = arith.constant 1.000000e+00 : f32
    %add3A_617 = vector.broadcast %add3A_616 : f32 to vector<1024x96xf32>
    %add3A_618 = arith.addf %add3A_617, %erf3A_615 : vector<1024x96xf32>
    %mul3A_619 = arith.mulf %mul3A_611, %add3A_618 : vector<1024x96xf32>
    %get3A_620 = arith.index_cast %get3A_547 : i32 to index
    %get3A_621 = arith.constant 0 : index
    %get3A_622 = arith.constant 0 : index
    %get3A_623 = vector.load %arg6[%get3A_620, %get3A_621, %get3A_622] : memref<8x96x96xf32, #tpu.memory_space<vmem>>, vector<1x96x96xf32>
    %get3A_624 = vector.shape_cast %get3A_623 : vector<1x96x96xf32> to vector<96x96xf32>
    %dot_general3A_625 = arith.constant dense<0.000000e+00> : vector<1024x96xf32>
    %dot_general3A_626 = tpu.matmul %mul3A_619, %get3A_624, %dot_general3A_625 {dimension_numbers = #tpu.dot_dimension_numbers<[1], [0], [0], [1], [0, 0, 1, 1], [], []>, transpose_lhs_hint = false} : vector<1024x96xf32>, vector<96x96xf32>, vector<1024x96xf32> -> vector<1024x96xf32>
    %get3A_627 = arith.index_cast %get3A_547 : i32 to index
    %get3A_628 = arith.constant 0 : index
    %get3A_629 = vector.load %arg7[%get3A_627, %get3A_628] : memref<8x96xf32, #tpu.memory_space<vmem>>, vector<1x96xf32>
    %get3A_630 = vector.shape_cast %get3A_629 : vector<1x96xf32> to vector<96xf32>
    %broadcast_in_dim3A_631 = vector.shape_cast %get3A_630 : vector<96xf32> to vector<1x96xf32>
    %add3A_632 = vector.broadcast %broadcast_in_dim3A_631 : vector<1x96xf32> to vector<1024x96xf32>
    %add3A_633 = arith.addf %dot_general3A_626, %add3A_632 : vector<1024x96xf32>
    %mul3A_634 = vector.broadcast %get3A_553 : f32 to vector<1024x96xf32>
    %mul3A_635 = arith.mulf %mul3A_634, %add3A_633 : vector<1024x96xf32>
    %add3A_636 = arith.addf %mul3A_594, %mul3A_635 : vector<1024x96xf32>
    %swap3A_637 = arith.constant 5 : index
    %swap3A_638 = arith.constant 0 : index
    %swap3A_639 = arith.constant 0 : index
    %swap3A_640 = vector.load %arg8[%swap3A_637, %swap3A_638, %swap3A_639] : memref<8x1024x96xf32, #tpu.memory_space<vmem>>, vector<1x1024x96xf32>
    %swap3A_641 = vector.shape_cast %swap3A_640 : vector<1x1024x96xf32> to vector<1024x96xf32>
    %swap3A_642 = vector.shape_cast %add3A_636 : vector<1024x96xf32> to vector<1x1024x96xf32>
    tpu.vector_store %arg8[%swap3A_637, %swap3A_638, %swap3A_639], %swap3A_642 {strides = array<i32>} : memref<8x1024x96xf32, #tpu.memory_space<vmem>>, vector<1x1024x96xf32>,
    %add3A_643 = arith.constant 6 : i32
    %add3A_644 = arith.addi %mul3A_0, %add3A_643 : i32
    %get3A_645 = arith.constant 6 : index
    %get3A_646 = arith.constant 0 : index
    %get3A_647 = arith.constant 0 : index
    %get3A_648 = vector.load %arg3[%get3A_645, %get3A_646, %get3A_647] : memref<8x1024x96xf32, #tpu.memory_space<vmem>>, vector<1x1024x96xf32>
    %get3A_649 = vector.shape_cast %get3A_648 : vector<1x1024x96xf32> to vector<1024x96xf32>
    %get3A_650 = arith.constant 0 : index
    %get3A_651 = arith.index_cast %add3A_644 : i32 to index
    %get3A_652 = memref.load %arg1[%get3A_650, %get3A_651] : memref<2x32xi32, #tpu.memory_space<smem>>
    %get3A_653 = arith.constant 1 : index
    %get3A_654 = arith.index_cast %add3A_644 : i32 to index
    %get3A_655 = memref.load %arg1[%get3A_653, %get3A_654] : memref<2x32xi32, #tpu.memory_space<smem>>
    %get3A_656 = arith.constant 0 : index
    %get3A_657 = arith.index_cast %add3A_644 : i32 to index
    %get3A_658 = memref.load %arg2[%get3A_656, %get3A_657] : memref<2x32xf32, #tpu.memory_space<smem>>
    %get3A_659 = arith.constant 1 : index
    %get3A_660 = arith.index_cast %add3A_644 : i32 to index
    %get3A_661 = memref.load %arg2[%get3A_659, %get3A_660] : memref<2x32xf32, #tpu.memory_space<smem>>
    %get3A_662 = arith.index_cast %get3A_652 : i32 to index
    %get3A_663 = arith.constant 0 : index
    %get3A_664 = arith.constant 0 : index
    %get3A_665 = vector.load %arg4[%get3A_662, %get3A_663, %get3A_664] : memref<8x96x96xf32, #tpu.memory_space<vmem>>, vector<1x96x96xf32>
    %get3A_666 = vector.shape_cast %get3A_665 : vector<1x96x96xf32> to vector<96x96xf32>
    %dot_general3A_667 = arith.constant dense<0.000000e+00> : vector<1024x96xf32>
    %dot_general3A_668 = tpu.matmul %get3A_649, %get3A_666, %dot_general3A_667 {dimension_numbers = #tpu.dot_dimension_numbers<[1], [0], [0], [1], [0, 0, 1, 1], [], []>, transpose_lhs_hint = false} : vector<1024x96xf32>, vector<96x96xf32>, vector<1024x96xf32> -> vector<1024x96xf32>
    %get3A_669 = arith.index_cast %get3A_652 : i32 to index
    %get3A_670 = arith.constant 0 : index
    %get3A_671 = vector.load %arg5[%get3A_669, %get3A_670] : memref<8x96xf32, #tpu.memory_space<vmem>>, vector<1x96xf32>
    %get3A_672 = vector.shape_cast %get3A_671 : vector<1x96xf32> to vector<96xf32>
    %broadcast_in_dim3A_673 = vector.shape_cast %get3A_672 : vector<96xf32> to vector<1x96xf32>
    %add3A_674 = vector.broadcast %broadcast_in_dim3A_673 : vector<1x96xf32> to vector<1024x96xf32>
    %add3A_675 = arith.addf %dot_general3A_668, %add3A_674 : vector<1024x96xf32>
    %mul3A_676 = arith.constant 5.000000e-01 : f32
    %mul3A_677 = vector.broadcast %mul3A_676 : f32 to vector<1024x96xf32>
    %mul3A_678 = arith.mulf %mul3A_677, %add3A_675 : vector<1024x96xf32>
    %mul3A_679 = arith.constant 0.707106769 : f32
    %mul3A_680 = vector.broadcast %mul3A_679 : f32 to vector<1024x96xf32>
    %mul3A_681 = arith.mulf %add3A_675, %mul3A_680 : vector<1024x96xf32>
    %erf3A_682 = math.erf %mul3A_681 : vector<1024x96xf32>
    %add3A_683 = arith.constant 1.000000e+00 : f32
    %add3A_684 = vector.broadcast %add3A_683 : f32 to vector<1024x96xf32>
    %add3A_685 = arith.addf %add3A_684, %erf3A_682 : vector<1024x96xf32>
    %mul3A_686 = arith.mulf %mul3A_678, %add3A_685 : vector<1024x96xf32>
    %get3A_687 = arith.index_cast %get3A_652 : i32 to index
    %get3A_688 = arith.constant 0 : index
    %get3A_689 = arith.constant 0 : index
    %get3A_690 = vector.load %arg6[%get3A_687, %get3A_688, %get3A_689] : memref<8x96x96xf32, #tpu.memory_space<vmem>>, vector<1x96x96xf32>
    %get3A_691 = vector.shape_cast %get3A_690 : vector<1x96x96xf32> to vector<96x96xf32>
    %dot_general3A_692 = arith.constant dense<0.000000e+00> : vector<1024x96xf32>
    %dot_general3A_693 = tpu.matmul %mul3A_686, %get3A_691, %dot_general3A_692 {dimension_numbers = #tpu.dot_dimension_numbers<[1], [0], [0], [1], [0, 0, 1, 1], [], []>, transpose_lhs_hint = false} : vector<1024x96xf32>, vector<96x96xf32>, vector<1024x96xf32> -> vector<1024x96xf32>
    %get3A_694 = arith.index_cast %get3A_652 : i32 to index
    %get3A_695 = arith.constant 0 : index
    %get3A_696 = vector.load %arg7[%get3A_694, %get3A_695] : memref<8x96xf32, #tpu.memory_space<vmem>>, vector<1x96xf32>
    %get3A_697 = vector.shape_cast %get3A_696 : vector<1x96xf32> to vector<96xf32>
    %broadcast_in_dim3A_698 = vector.shape_cast %get3A_697 : vector<96xf32> to vector<1x96xf32>
    %add3A_699 = vector.broadcast %broadcast_in_dim3A_698 : vector<1x96xf32> to vector<1024x96xf32>
    %add3A_700 = arith.addf %dot_general3A_693, %add3A_699 : vector<1024x96xf32>
    %mul3A_701 = vector.broadcast %get3A_658 : f32 to vector<1024x96xf32>
    %mul3A_702 = arith.mulf %mul3A_701, %add3A_700 : vector<1024x96xf32>
    %get3A_703 = arith.index_cast %get3A_655 : i32 to index
    %get3A_704 = arith.constant 0 : index
    %get3A_705 = arith.constant 0 : index
    %get3A_706 = vector.load %arg4[%get3A_703, %get3A_704, %get3A_705] : memref<8x96x96xf32, #tpu.memory_space<vmem>>, vector<1x96x96xf32>
    %get3A_707 = vector.shape_cast %get3A_706 : vector<1x96x96xf32> to vector<96x96xf32>
    %dot_general3A_708 = arith.constant dense<0.000000e+00> : vector<1024x96xf32>
    %dot_general3A_709 = tpu.matmul %get3A_649, %get3A_707, %dot_general3A_708 {dimension_numbers = #tpu.dot_dimension_numbers<[1], [0], [0], [1], [0, 0, 1, 1], [], []>, transpose_lhs_hint = false} : vector<1024x96xf32>, vector<96x96xf32>, vector<1024x96xf32> -> vector<1024x96xf32>
    %get3A_710 = arith.index_cast %get3A_655 : i32 to index
    %get3A_711 = arith.constant 0 : index
    %get3A_712 = vector.load %arg5[%get3A_710, %get3A_711] : memref<8x96xf32, #tpu.memory_space<vmem>>, vector<1x96xf32>
    %get3A_713 = vector.shape_cast %get3A_712 : vector<1x96xf32> to vector<96xf32>
    %broadcast_in_dim3A_714 = vector.shape_cast %get3A_713 : vector<96xf32> to vector<1x96xf32>
    %add3A_715 = vector.broadcast %broadcast_in_dim3A_714 : vector<1x96xf32> to vector<1024x96xf32>
    %add3A_716 = arith.addf %dot_general3A_709, %add3A_715 : vector<1024x96xf32>
    %mul3A_717 = arith.constant 5.000000e-01 : f32
    %mul3A_718 = vector.broadcast %mul3A_717 : f32 to vector<1024x96xf32>
    %mul3A_719 = arith.mulf %mul3A_718, %add3A_716 : vector<1024x96xf32>
    %mul3A_720 = arith.constant 0.707106769 : f32
    %mul3A_721 = vector.broadcast %mul3A_720 : f32 to vector<1024x96xf32>
    %mul3A_722 = arith.mulf %add3A_716, %mul3A_721 : vector<1024x96xf32>
    %erf3A_723 = math.erf %mul3A_722 : vector<1024x96xf32>
    %add3A_724 = arith.constant 1.000000e+00 : f32
    %add3A_725 = vector.broadcast %add3A_724 : f32 to vector<1024x96xf32>
    %add3A_726 = arith.addf %add3A_725, %erf3A_723 : vector<1024x96xf32>
    %mul3A_727 = arith.mulf %mul3A_719, %add3A_726 : vector<1024x96xf32>
    %get3A_728 = arith.index_cast %get3A_655 : i32 to index
    %get3A_729 = arith.constant 0 : index
    %get3A_730 = arith.constant 0 : index
    %get3A_731 = vector.load %arg6[%get3A_728, %get3A_729, %get3A_730] : memref<8x96x96xf32, #tpu.memory_space<vmem>>, vector<1x96x96xf32>
    %get3A_732 = vector.shape_cast %get3A_731 : vector<1x96x96xf32> to vector<96x96xf32>
    %dot_general3A_733 = arith.constant dense<0.000000e+00> : vector<1024x96xf32>
    %dot_general3A_734 = tpu.matmul %mul3A_727, %get3A_732, %dot_general3A_733 {dimension_numbers = #tpu.dot_dimension_numbers<[1], [0], [0], [1], [0, 0, 1, 1], [], []>, transpose_lhs_hint = false} : vector<1024x96xf32>, vector<96x96xf32>, vector<1024x96xf32> -> vector<1024x96xf32>
    %get3A_735 = arith.index_cast %get3A_655 : i32 to index
    %get3A_736 = arith.constant 0 : index
    %get3A_737 = vector.load %arg7[%get3A_735, %get3A_736] : memref<8x96xf32, #tpu.memory_space<vmem>>, vector<1x96xf32>
    %get3A_738 = vector.shape_cast %get3A_737 : vector<1x96xf32> to vector<96xf32>
    %broadcast_in_dim3A_739 = vector.shape_cast %get3A_738 : vector<96xf32> to vector<1x96xf32>
    %add3A_740 = vector.broadcast %broadcast_in_dim3A_739 : vector<1x96xf32> to vector<1024x96xf32>
    %add3A_741 = arith.addf %dot_general3A_734, %add3A_740 : vector<1024x96xf32>
    %mul3A_742 = vector.broadcast %get3A_661 : f32 to vector<1024x96xf32>
    %mul3A_743 = arith.mulf %mul3A_742, %add3A_741 : vector<1024x96xf32>
    %add3A_744 = arith.addf %mul3A_702, %mul3A_743 : vector<1024x96xf32>
    %swap3A_745 = arith.constant 6 : index
    %swap3A_746 = arith.constant 0 : index
    %swap3A_747 = arith.constant 0 : index
    %swap3A_748 = vector.load %arg8[%swap3A_745, %swap3A_746, %swap3A_747] : memref<8x1024x96xf32, #tpu.memory_space<vmem>>, vector<1x1024x96xf32>
    %swap3A_749 = vector.shape_cast %swap3A_748 : vector<1x1024x96xf32> to vector<1024x96xf32>
    %swap3A_750 = vector.shape_cast %add3A_744 : vector<1024x96xf32> to vector<1x1024x96xf32>
    tpu.vector_store %arg8[%swap3A_745, %swap3A_746, %swap3A_747], %swap3A_750 {strides = array<i32>} : memref<8x1024x96xf32, #tpu.memory_space<vmem>>, vector<1x1024x96xf32>,
    %add3A_751 = arith.constant 7 : i32
    %add3A_752 = arith.addi %mul3A_0, %add3A_751 : i32
    %get3A_753 = arith.constant 7 : index
    %get3A_754 = arith.constant 0 : index
    %get3A_755 = arith.constant 0 : index
    %get3A_756 = vector.load %arg3[%get3A_753, %get3A_754, %get3A_755] : memref<8x1024x96xf32, #tpu.memory_space<vmem>>, vector<1x1024x96xf32>
    %get3A_757 = vector.shape_cast %get3A_756 : vector<1x1024x96xf32> to vector<1024x96xf32>
    %get3A_758 = arith.constant 0 : index
    %get3A_759 = arith.index_cast %add3A_752 : i32 to index
    %get3A_760 = memref.load %arg1[%get3A_758, %get3A_759] : memref<2x32xi32, #tpu.memory_space<smem>>
    %get3A_761 = arith.constant 1 : index
    %get3A_762 = arith.index_cast %add3A_752 : i32 to index
    %get3A_763 = memref.load %arg1[%get3A_761, %get3A_762] : memref<2x32xi32, #tpu.memory_space<smem>>
    %get3A_764 = arith.constant 0 : index
    %get3A_765 = arith.index_cast %add3A_752 : i32 to index
    %get3A_766 = memref.load %arg2[%get3A_764, %get3A_765] : memref<2x32xf32, #tpu.memory_space<smem>>
    %get3A_767 = arith.constant 1 : index
    %get3A_768 = arith.index_cast %add3A_752 : i32 to index
    %get3A_769 = memref.load %arg2[%get3A_767, %get3A_768] : memref<2x32xf32, #tpu.memory_space<smem>>
    %get3A_770 = arith.index_cast %get3A_760 : i32 to index
    %get3A_771 = arith.constant 0 : index
    %get3A_772 = arith.constant 0 : index
    %get3A_773 = vector.load %arg4[%get3A_770, %get3A_771, %get3A_772] : memref<8x96x96xf32, #tpu.memory_space<vmem>>, vector<1x96x96xf32>
    %get3A_774 = vector.shape_cast %get3A_773 : vector<1x96x96xf32> to vector<96x96xf32>
    %dot_general3A_775 = arith.constant dense<0.000000e+00> : vector<1024x96xf32>
    %dot_general3A_776 = tpu.matmul %get3A_757, %get3A_774, %dot_general3A_775 {dimension_numbers = #tpu.dot_dimension_numbers<[1], [0], [0], [1], [0, 0, 1, 1], [], []>, transpose_lhs_hint = false} : vector<1024x96xf32>, vector<96x96xf32>, vector<1024x96xf32> -> vector<1024x96xf32>
    %get3A_777 = arith.index_cast %get3A_760 : i32 to index
    %get3A_778 = arith.constant 0 : index
    %get3A_779 = vector.load %arg5[%get3A_777, %get3A_778] : memref<8x96xf32, #tpu.memory_space<vmem>>, vector<1x96xf32>
    %get3A_780 = vector.shape_cast %get3A_779 : vector<1x96xf32> to vector<96xf32>
    %broadcast_in_dim3A_781 = vector.shape_cast %get3A_780 : vector<96xf32> to vector<1x96xf32>
    %add3A_782 = vector.broadcast %broadcast_in_dim3A_781 : vector<1x96xf32> to vector<1024x96xf32>
    %add3A_783 = arith.addf %dot_general3A_776, %add3A_782 : vector<1024x96xf32>
    %mul3A_784 = arith.constant 5.000000e-01 : f32
    %mul3A_785 = vector.broadcast %mul3A_784 : f32 to vector<1024x96xf32>
    %mul3A_786 = arith.mulf %mul3A_785, %add3A_783 : vector<1024x96xf32>
    %mul3A_787 = arith.constant 0.707106769 : f32
    %mul3A_788 = vector.broadcast %mul3A_787 : f32 to vector<1024x96xf32>
    %mul3A_789 = arith.mulf %add3A_783, %mul3A_788 : vector<1024x96xf32>
    %erf3A_790 = math.erf %mul3A_789 : vector<1024x96xf32>
    %add3A_791 = arith.constant 1.000000e+00 : f32
    %add3A_792 = vector.broadcast %add3A_791 : f32 to vector<1024x96xf32>
    %add3A_793 = arith.addf %add3A_792, %erf3A_790 : vector<1024x96xf32>
    %mul3A_794 = arith.mulf %mul3A_786, %add3A_793 : vector<1024x96xf32>
    %get3A_795 = arith.index_cast %get3A_760 : i32 to index
    %get3A_796 = arith.constant 0 : index
    %get3A_797 = arith.constant 0 : index
    %get3A_798 = vector.load %arg6[%get3A_795, %get3A_796, %get3A_797] : memref<8x96x96xf32, #tpu.memory_space<vmem>>, vector<1x96x96xf32>
    %get3A_799 = vector.shape_cast %get3A_798 : vector<1x96x96xf32> to vector<96x96xf32>
    %dot_general3A_800 = arith.constant dense<0.000000e+00> : vector<1024x96xf32>
    %dot_general3A_801 = tpu.matmul %mul3A_794, %get3A_799, %dot_general3A_800 {dimension_numbers = #tpu.dot_dimension_numbers<[1], [0], [0], [1], [0, 0, 1, 1], [], []>, transpose_lhs_hint = false} : vector<1024x96xf32>, vector<96x96xf32>, vector<1024x96xf32> -> vector<1024x96xf32>
    %get3A_802 = arith.index_cast %get3A_760 : i32 to index
    %get3A_803 = arith.constant 0 : index
    %get3A_804 = vector.load %arg7[%get3A_802, %get3A_803] : memref<8x96xf32, #tpu.memory_space<vmem>>, vector<1x96xf32>
    %get3A_805 = vector.shape_cast %get3A_804 : vector<1x96xf32> to vector<96xf32>
    %broadcast_in_dim3A_806 = vector.shape_cast %get3A_805 : vector<96xf32> to vector<1x96xf32>
    %add3A_807 = vector.broadcast %broadcast_in_dim3A_806 : vector<1x96xf32> to vector<1024x96xf32>
    %add3A_808 = arith.addf %dot_general3A_801, %add3A_807 : vector<1024x96xf32>
    %mul3A_809 = vector.broadcast %get3A_766 : f32 to vector<1024x96xf32>
    %mul3A_810 = arith.mulf %mul3A_809, %add3A_808 : vector<1024x96xf32>
    %get3A_811 = arith.index_cast %get3A_763 : i32 to index
    %get3A_812 = arith.constant 0 : index
    %get3A_813 = arith.constant 0 : index
    %get3A_814 = vector.load %arg4[%get3A_811, %get3A_812, %get3A_813] : memref<8x96x96xf32, #tpu.memory_space<vmem>>, vector<1x96x96xf32>
    %get3A_815 = vector.shape_cast %get3A_814 : vector<1x96x96xf32> to vector<96x96xf32>
    %dot_general3A_816 = arith.constant dense<0.000000e+00> : vector<1024x96xf32>
    %dot_general3A_817 = tpu.matmul %get3A_757, %get3A_815, %dot_general3A_816 {dimension_numbers = #tpu.dot_dimension_numbers<[1], [0], [0], [1], [0, 0, 1, 1], [], []>, transpose_lhs_hint = false} : vector<1024x96xf32>, vector<96x96xf32>, vector<1024x96xf32> -> vector<1024x96xf32>
    %get3A_818 = arith.index_cast %get3A_763 : i32 to index
    %get3A_819 = arith.constant 0 : index
    %get3A_820 = vector.load %arg5[%get3A_818, %get3A_819] : memref<8x96xf32, #tpu.memory_space<vmem>>, vector<1x96xf32>
    %get3A_821 = vector.shape_cast %get3A_820 : vector<1x96xf32> to vector<96xf32>
    %broadcast_in_dim3A_822 = vector.shape_cast %get3A_821 : vector<96xf32> to vector<1x96xf32>
    %add3A_823 = vector.broadcast %broadcast_in_dim3A_822 : vector<1x96xf32> to vector<1024x96xf32>
    %add3A_824 = arith.addf %dot_general3A_817, %add3A_823 : vector<1024x96xf32>
    %mul3A_825 = arith.constant 5.000000e-01 : f32
    %mul3A_826 = vector.broadcast %mul3A_825 : f32 to vector<1024x96xf32>
    %mul3A_827 = arith.mulf %mul3A_826, %add3A_824 : vector<1024x96xf32>
    %mul3A_828 = arith.constant 0.707106769 : f32
    %mul3A_829 = vector.broadcast %mul3A_828 : f32 to vector<1024x96xf32>
    %mul3A_830 = arith.mulf %add3A_824, %mul3A_829 : vector<1024x96xf32>
    %erf3A_831 = math.erf %mul3A_830 : vector<1024x96xf32>
    %add3A_832 = arith.constant 1.000000e+00 : f32
    %add3A_833 = vector.broadcast %add3A_832 : f32 to vector<1024x96xf32>
    %add3A_834 = arith.addf %add3A_833, %erf3A_831 : vector<1024x96xf32>
    %mul3A_835 = arith.mulf %mul3A_827, %add3A_834 : vector<1024x96xf32>
    %get3A_836 = arith.index_cast %get3A_763 : i32 to index
    %get3A_837 = arith.constant 0 : index
    %get3A_838 = arith.constant 0 : index
    %get3A_839 = vector.load %arg6[%get3A_836, %get3A_837, %get3A_838] : memref<8x96x96xf32, #tpu.memory_space<vmem>>, vector<1x96x96xf32>
    %get3A_840 = vector.shape_cast %get3A_839 : vector<1x96x96xf32> to vector<96x96xf32>
    %dot_general3A_841 = arith.constant dense<0.000000e+00> : vector<1024x96xf32>
    %dot_general3A_842 = tpu.matmul %mul3A_835, %get3A_840, %dot_general3A_841 {dimension_numbers = #tpu.dot_dimension_numbers<[1], [0], [0], [1], [0, 0, 1, 1], [], []>, transpose_lhs_hint = false} : vector<1024x96xf32>, vector<96x96xf32>, vector<1024x96xf32> -> vector<1024x96xf32>
    %get3A_843 = arith.index_cast %get3A_763 : i32 to index
    %get3A_844 = arith.constant 0 : index
    %get3A_845 = vector.load %arg7[%get3A_843, %get3A_844] : memref<8x96xf32, #tpu.memory_space<vmem>>, vector<1x96xf32>
    %get3A_846 = vector.shape_cast %get3A_845 : vector<1x96xf32> to vector<96xf32>
    %broadcast_in_dim3A_847 = vector.shape_cast %get3A_846 : vector<96xf32> to vector<1x96xf32>
    %add3A_848 = vector.broadcast %broadcast_in_dim3A_847 : vector<1x96xf32> to vector<1024x96xf32>
    %add3A_849 = arith.addf %dot_general3A_842, %add3A_848 : vector<1024x96xf32>
    %mul3A_850 = vector.broadcast %get3A_769 : f32 to vector<1024x96xf32>
    %mul3A_851 = arith.mulf %mul3A_850, %add3A_849 : vector<1024x96xf32>
    %add3A_852 = arith.addf %mul3A_810, %mul3A_851 : vector<1024x96xf32>
    %swap3A_853 = arith.constant 7 : index
    %swap3A_854 = arith.constant 0 : index
    %swap3A_855 = arith.constant 0 : index
    %swap3A_856 = vector.load %arg8[%swap3A_853, %swap3A_854, %swap3A_855] : memref<8x1024x96xf32, #tpu.memory_space<vmem>>, vector<1x1024x96xf32>
    %swap3A_857 = vector.shape_cast %swap3A_856 : vector<1x1024x96xf32> to vector<1024x96xf32>
    %swap3A_858 = vector.shape_cast %add3A_852 : vector<1024x96xf32> to vector<1x1024x96xf32>
    tpu.vector_store %arg8[%swap3A_853, %swap3A_854, %swap3A_855], %swap3A_858 {strides = array<i32>} : memref<8x1024x96xf32, #tpu.memory_space<vmem>>, vector<1x1024x96xf32>,
    return
  }
  func.func @transform_0(%arg0: i32) -> (i32, i32) {
    %c0_i32 = arith.constant 0 : i32
    %c0_i32_0 = arith.constant 0 : i32
    %c0_i32_1 = arith.constant 0 : i32
    return %c0_i32, %c0_i32_0 : i32, i32
  }
  func.func @transform_1(%arg0: i32) -> (i32, i32) {
    %c0_i32 = arith.constant 0 : i32
    %c0_i32_0 = arith.constant 0 : i32
    %c0_i32_1 = arith.constant 0 : i32
    return %c0_i32, %c0_i32_0 : i32, i32
  }
  func.func @transform_2(%arg0: i32) -> (i32, i32, i32) {
    %c0_i32 = arith.constant 0 : i32
    %c0_i32_0 = arith.constant 0 : i32
    %c0_i32_1 = arith.constant 0 : i32
    return %arg0, %c0_i32, %c0_i32_0 : i32, i32, i32
  }
  func.func @transform_3(%arg0: i32) -> (i32, i32, i32) {
    %c0_i32 = arith.constant 0 : i32
    %c0_i32_0 = arith.constant 0 : i32
    %c0_i32_1 = arith.constant 0 : i32
    %c0_i32_2 = arith.constant 0 : i32
    return %c0_i32, %c0_i32_0, %c0_i32_1 : i32, i32, i32
  }
  func.func @transform_4(%arg0: i32) -> (i32, i32) {
    %c0_i32 = arith.constant 0 : i32
    %c0_i32_0 = arith.constant 0 : i32
    %c0_i32_1 = arith.constant 0 : i32
    return %c0_i32, %c0_i32_0 : i32, i32
  }
  func.func @transform_5(%arg0: i32) -> (i32, i32, i32) {
    %c0_i32 = arith.constant 0 : i32
    %c0_i32_0 = arith.constant 0 : i32
    %c0_i32_1 = arith.constant 0 : i32
    %c0_i32_2 = arith.constant 0 : i32
    return %c0_i32, %c0_i32_0, %c0_i32_1 : i32, i32, i32
  }
  func.func @transform_6(%arg0: i32) -> (i32, i32) {
    %c0_i32 = arith.constant 0 : i32
    %c0_i32_0 = arith.constant 0 : i32
    %c0_i32_1 = arith.constant 0 : i32
    return %c0_i32, %c0_i32_0 : i32, i32
  }
  func.func @transform_7(%arg0: i32) -> (i32, i32, i32) {
    %c0_i32 = arith.constant 0 : i32
    %c0_i32_0 = arith.constant 0 : i32
    %c0_i32_1 = arith.constant 0 : i32
    return %arg0, %c0_i32, %c0_i32_0 : i32, i32, i32
  }
}

</mosaic_0001>

<sc_bundles>
// kernel: kernel.6.cloned.1.call-start
scs
__scs_entry_jumppad:
0x0: {  	(pc) =	sbr.rel $0x88, $3  }
0x1: {  	(tag) =	ssettag $0x0;
	lr =	simm.s32 $0x1  }
0x2: {  	[smem:$0x3F9B] =	sst lr;
	_ =	strace $0xD0000000  }
0x3: {  	_ = 	snop  }
0x4: {  	_ = 	snop  }
0x5: {  	_ = 	snop  }
0x6: {  	_ = 	snop  }
0x7: {  	_ = 	snop  }
__scs_overlays_trampoline_lowered:
0x8: {  	[smem:$0x3FAA] =	sst s0  }
0x9: {  	[smem:$0x3FAB] =	sst s1  }
0xa: {  	[smem:$0x3FAC] =	sst s2  }
0xb: {  	[smem:$0x3FAD] =	sst s3  }
0xc: {  	[smem:$0x3FAE] =	sst s4  }
0xd: {  	[smem:$0x3FAF] =	sst s5  }
0xe: {  	[smem:$0x3FB0] =	sst s6  }
0xf: {  	[smem:$0x3FB1] =	sst s7  }
0x10: {  	[smem:$0x3FB2] =	sst s8  }
0x11: {  	[smem:$0x3FB3] =	sst s9;
	s0 =	simm.s32 @!p0 $0x0  }
0x12: {  	s1 =	sld [smem:$0x3F99];
	s0 =	simm.s32 @p0 $0x1  }
0x13: {  	[smem:$0x3FB4] =	sst s0;
	s0 =	simm.s32 @!p1 $0x0  }
0x14: {  	s2 =	sld [smem:$0x3F98];
	s0 =	simm.s32 @p1 $0x1  }
0x15: {  	[smem:$0x3FB5] =	sst s0;
	s0 =	simm.s32 @!p2 $0x0  }
0x16: {  	s3 =	sld [smem:$0x3FDB];
	s0 =	simm.s32 @p2 $0x1  }
0x17: {  	s4 =	simm.s32 $0x1BF5;
	[smem:$0x3FB7] =	sst s0  }
0x18: {  	s0 =	sld [smem:$0x3F9A];
	_ =	swait.ge [sflag:s4], $0x0  }
0x19: {  	s7 =	sld [smem:$0x3F9B]  }
0x1a: {  	s8 =	sadd.s32 $0xFFFFE003, lr  }
0x1b: {  	s9 =	sadd.s32 $0xFFFFFEF7, lr;
	s5 =	simm.s32 $0xFFFFFFFF;
	p2 =	slt.u32 s8, $0xFFFFF086  }
0x1c: {  	p1 =	slt.u32 s9, $0xF7A;
	s5 =	simm.s32 @!p2 $0x0  }
0x1d: {  	s5 =	simm.s32 @p1 $0x1;
	p0 =	seq.s32 s7, s2  }
0x1e: {  	s7 =	smul.u32 @!p0 $0xF7A, s2;
	p2 =	seq.s32 @!p0 s5, $0x0  }
0x1f: {  	s9 =	smul.u32 $0xF7A, s1;
	s8 =	simm.s32 @!p0 $0x1BF5;
	p2 =	por !p2, p0  }
0x20: {  	[sflag:s8] =	ssyncset.s32 @!p0 $0xFFFFF086;
	s6 =	sadd.s32 @!p0 s3, s7;
	s7 =	simm.s32 @!p0 $0x108  }
0x21: {  	s3 =	sadd.s32 s3, s9;
	s6 =	sadd.s32 @!p0 $0x88, s6;
	s7 =	simm.s32 @p2 $0x1082  }
0x22: {  	[simem:s7], [sflag:s8] =	dma.local @!p0 [hbm:s6], $0xF7A  }
0x23: {  	s9 =	sor.u32 $0xD0000000, s2;
	s6 =	simm.s32 $0x108;
	_ =	swait.ge @!p0 [sflag:s8], $0x0  }
0x24: {  	s3 =	sadd.s32 $0x88, s3;
	s6 =	simm.s32 @!p1 $0x1082;
	[sflag:s4] =	ssyncset.s32 $0xFFFFF086  }
0x25: {  	[simem:s6], [sflag:s4] =	dma.local [hbm:s3], $0xF7A  }
0x26: {  	[smem:$0x3F9B] =	sst s1;
	(tag) =	ssettag s2;
	_ =	strace s9  }
0x27: {  	s1 =	sld [smem:$0x3FAB]  }
0x28: {  	s2 =	sld [smem:$0x3FAC]  }
0x29: {  	s4 =	sld [smem:$0x3FAE]  }
0x2a: {  	p0 =	seq.s32 s5, $0x0;
	s5 =	sld [smem:$0x3FAF]  }
0x2b: {  	s6 =	sld [smem:$0x3FB0]  }
0x2c: {  	s7 =	sld [smem:$0x3FB1]  }
0x2d: {  	s3 =	simm.s32 $0x108;
	s8 =	sld [smem:$0x3FB2]  }
0x2e: {  	s3 =	simm.s32 @!p0 $0x1082;
	s9 =	sld [smem:$0x3FB3]  }
0x2f: {  	lr =	sadd.s32 s0, s3;
	s0 =	sld [smem:$0x3FAA]  }
0x30: {  	s3 =	sld [smem:$0x3FAD]  }
0x31: {  	[smem:$0x3FB6] =	sst s10  }
0x32: {  	s10 =	sld [smem:$0x3FB4];
	_ =	sdelay $0x3  }
0x33: {  	p0 =	seq.s32 s10, $0x1;
	s10 =	sld [smem:$0x3FB6];
	_ =	sdelay $0x3  }
0x34: {  	[smem:$0x3FB6] =	sst s10  }
0x35: {  	s10 =	sld [smem:$0x3FB5];
	_ =	sdelay $0x3  }
0x36: {  	p1 =	seq.s32 s10, $0x1;
	s10 =	sld [smem:$0x3FB6];
	_ =	sdelay $0x3  }
0x37: {  	[smem:$0x3FB6] =	sst s10  }
0x38: {  	s10 =	sld [smem:$0x3FB7]  }
0x39: {  	_ = 	snop;
	(pc) =	sbr.ind lr, $3  }
0x3a: {  	_ = 	snop  }
0x3b: {  	_ = 	snop  }
0x3c: {  	p2 =	seq.s32 s10, $0x1;
	s10 =	sld [smem:$0x3FB6]  }
0x3d: {  	_ =	shalt  }
0x3e: {  	_ =	shalt  }
0x3f: {  	_ =	shalt  }
0x40: {  	_ =	shalt  }
0x41: {  	_ =	shalt  }
0x42: {  	_ =	shalt  }
0x43: {  	_ =	shalt  }
0x44: {  	_ =	shalt  }
0x45: {  	_ =	shalt  }
0x46: {  	_ =	shalt  }
0x47: {  	_ =	shalt  }
0x48: {  	_ =	shalt  }
0x49: {  	_ =	shalt  }
0x4a: {  	_ =	shalt  }
0x4b: {  	_ =	shalt  }
0x4c: {  	_ =	shalt  }
0x4d: {  	_ =	shalt  }
0x4e: {  	_ =	shalt  }
0x4f: {  	_ =	shalt  }
0x50: {  	_ =	shalt  }
0x51: {  	_ =	shalt  }
0x52: {  	_ =	shalt  }
0x53: {  	_ =	shalt  }
0x54: {  	_ =	shalt  }
0x55: {  	_ =	shalt  }
0x56: {  	_ =	shalt  }
0x57: {  	_ =	shalt  }
0x58: {  	_ =	shalt  }
0x59: {  	_ =	shalt  }
0x5a: {  	_ =	shalt  }
0x5b: {  	_ =	shalt  }
0x5c: {  	_ =	shalt  }
0x5d: {  	_ =	shalt  }
0x5e: {  	_ =	shalt  }
0x5f: {  	_ =	shalt  }
0x60: {  	_ =	shalt  }
0x61: {  	_ =	shalt  }
0x62: {  	_ =	shalt  }
0x63: {  	_ =	shalt  }
0x64: {  	_ =	shalt  }
0x65: {  	_ =	shalt  }
0x66: {  	_ =	shalt  }
0x67: {  	_ =	shalt  }
0x68: {  	_ =	shalt  }
0x69: {  	_ =	shalt  }
0x6a: {  	_ =	shalt  }
0x6b: {  	_ =	shalt  }
0x6c: {  	_ =	shalt  }
0x6d: {  	_ =	shalt  }
0x6e: {  	_ =	shalt  }
0x6f: {  	_ =	shalt  }
0x70: {  	_ =	shalt  }
0x71: {  	_ =	shalt  }
0x72: {  	_ =	shalt  }
0x73: {  	_ =	shalt  }
0x74: {  	_ =	shalt  }
0x75: {  	_ =	shalt  }
0x76: {  	_ =	shalt  }
0x77: {  	_ =	shalt  }
0x78: {  	_ =	shalt  }
0x79: {  	_ =	shalt  }
0x7a: {  	_ =	shalt  }
0x7b: {  	_ =	shalt  }
0x7c: {  	_ =	shalt  }
0x7d: {  	_ =	shalt  }
0x7e: {  	_ =	shalt  }
0x7f: {  	_ =	shalt  }
0x80: {  	_ =	shalt  }
0x81: {  	_ =	shalt  }
0x82: {  	_ =	shalt  }
0x83: {  	_ =	shalt  }
0x84: {  	_ =	shalt  }
0x85: {  	_ =	shalt  }
0x86: {  	_ =	shalt  }
0x87: {  	_ =	shalt  }
.Lfunc_end0:
.L_simem_size_0:
called_computation_lowered:
.L_overlay_start_0:
0x88: {  	s2 =	sld [smem:$0x3FD9]  }
0x89: {  	s3 =	sld [smem:$0x3FFE];
	_ =	sdelay $0x1  }
0x8a: {  	s1 =	srdreg.scid  }
0x8b: {  	s0 =	sand.u32 $0x1, s1  }
0x8c: {  	s14 =	sshll.u32 s0, $0xA;
	s2 =	sadd.s32 s3, s2  }
0x8d: {  	s2 =	sadd.s32 s2, s14  }
0x8e: {  	[smem:$0x3FC2] =	sst s2  }
0x8f: {  	_ = 	snop  }
0x90: {  	s2 =	sld [smem:$0x3FD0];
	_ =	sdelay $0x2  }
0x91: {  	s15 =	simm.s32 $0xA;
	s4 =	simm.s32 $0x10  }
0x92: {  	[smem:s4], [sflag:s15] =	dma.local [hbm:s2], $0x1  }
0x93: {  	_ =	swait.eq [sflag:s15], $0x1  }
0x94: {  	[sflag:s15] =	ssyncset.done $0x0  }
0x95: {  	[sflag:s15] =	ssyncadd.s32 $0xFFFFFFFF  }
0x96: {  	s16 =	sld [smem:$0x10];
	(tm) =	ssettm $0x1  }
0x97: {  	s17 =	sld [smem:$0x3FFB];
	_ =	sdelay $0x3  }
0x98: {  	_ =	strace s17  }
0x99: {  	s3 =	sld [smem:$0x3FFC];
	_ =	sdelay $0x3  }
0x9a: {  	_ =	strace s3  }
0x9b: {  	s3 =	sld [smem:$0x3FFD];
	_ =	sdelay $0x3  }
0x9c: {  	_ =	strace s3  }
0x9d: {  	_ =	strace $0x8FFFFFFF  }
0x9e: {  	s18 =	sld [smem:$0x3FDB];
	_ =	sdelay $0x1  }
0x9f: {  	s19 =	simm.s32 $_scs_section_size  }
0xa0: {  	s5 =	simm.s32 $_size__tile_overlayer_lowered;
	s6 =	simm.s32 $_tile_overlayer_lowered  }
0xa1: {  	s22 =	simm.s32 $0x1BFF;
	s21 =	sshll.u32 s6, $0x1;
	s3 =	sadd.s32 s19, s18  }
0xa2: {  	s7 =	simm.s32 $0x0;
	s20 =	sshll.u32 s5, $0x1;
	s5 =	sadd.s32 s21, s3  }
0xa3: {  	[timem:s7], [sflag:s22] =	dma.local [hbm:s5], s20  }
0xa4: {  	_ =	swait.ge [sflag:s22], s20  }
0xa5: {  	s4 =	ssub.s32 $0x0, s20;
	[sflag:s22] =	ssyncset.done $0x0  }
0xa6: {  	[sflag:s22] =	ssyncadd.s32 s4;
	_ =	sdelay $0x1  }
0xa7: {  	s23 =	simm.s32 $0x1B8B  }
0xa8: {  	_ =	swait.ge [sflag:s23], $0x1  }
0xa9: {  	[sflag:s23] =	ssyncset.done $0x0  }
0xaa: {  	s25 =	simm.s32 $0x1B8E;
	s24 =	sld [smem:$0x3FFE];
	[sflag:s23] =	ssyncadd.s32 $0xFFFFFFFF  }
0xab: {  	s26 =	simm.s32 $execute0_lowered;
	[smem:$0x3FD2] =	sst s25  }
0xac: {  	s5 =	sshll.u32 s26, $0x1;
	_ =	strace $0x80000046;
	[dreg:$0x1] =	wrdreg $0xFFFFFFFF  }
0xad: {  	s28 =	simm.s32 $_size_execute0_lowered;
	s3 =	sadd.s32 s3, s5;
	[dreg:$0x0] =	wrdreg $0x0  }
0xae: {  	s5 =	sshll.u32 s28, $0x1;
	[dreg:$0x2] =	wrdreg s3  }
0xaf: {  	[dreg:$0x3] =	wrdreg s5  }
0xb0: {  	[dreg:$0x4] =	wrdreg $0xC0  }
0xb1: {  	_ =	task [dreg:s7], $0x5FFFF  }
0xb2: {  	[dreg:$0x1] =	wrdreg $0xFFFFFFFF  }
0xb3: {  	[dreg:$0x0] =	wrdreg $0x60  }
0xb4: {  	[dreg:$0x2] =	wrdreg s16  }
0xb5: {  	[dreg:$0x3] =	wrdreg s24  }
0xb6: {  	[dreg:$0x4] =	wrdreg $0x9  }
0xb7: {  	_ =	task.clear_ibuf [dreg:s7], $0x5FFFF;
	_ =	strace $0x90000046  }
0xb8: {  	s29 =	simm.s32 $0x9;
	_ =	strace $0x80000048  }
0xb9: {  	_ =	swait.ge [sflag:s29], $0x1  }
0xba: {  	[sflag:s29] =	ssyncadd.s32 $0xFFFFFFFF  }
0xbb: {  	_ =	strace $0x90000048  }
0xbc: {  	_ =	sfence  }
0xbd: {  	s30 =	sld [smem:$0x0];
	_ =	sdelay $0x2  }
0xbe: {  	s31 =	sshll.u32 s1, $0xD;
	s1 =	sshrl.u32 s1, $0x2  }
0xbf: {  	s3 =	sand.u32 $0x4000, s31;
	s1 =	sadd.s32 s1, s30  }
0xc0: {  	s0 =	sor.u32 s3, s0;
	s1 =	sshll.u32 s1, $0x11  }
0xc1: {  	s0 =	sor.u32 s1, s0  }
0xc2: {  	s0 =	sadd.s32 $0x8F2B, s0  }
0xc3: {  	[sflag:s0] =	ssyncadd.remote.s32 $0x1  }
0xc4: {  	_ =	sfence.sel $0xFFFF  }
0xc5: {  	[dreg:$0x0] =	wrdreg $0xFFFFFFFF;
	(pc) =	sbr.abs _section_cstart, $3  }
0xc6: {  	[dreg:$0x1] =	wrdreg $0xFFFFFFFF  }
0xc7: {  	_ =	task.clear_ibuf [dreg:s7], $0x2FFFF;
	_ =	strace $0x9FFFFFFF  }
0xc8: {  	(tm) =	ssettm $0x7FFFFFFF  }
0xc9: {  	_ =	shalt  }
tec
execute0_lowered:
.L_overlay_start_1:
0x0: {  	(tag) =	ssettag $0x1  }
0x1: {  	s0 =	srdreg.scid  }
0x2: {  	s3 =	sand.u32 $0x1, s0;
	s0 =	stileid.u32  }
0x3: {  	s4 =	sshll.u32 s0, $0x1;
	s6 =	ssub.s32 $0x0, s3  }
0x4: {  	p0 =	sne.s32 s4, s6  }
.Ltmp0:
0x5: {  	_ = 	snop;
	(pc) =	sbr.rel @p0 .LBB2_3-.Ltmp0, $4  }
0x6: {  	_ = 	snop  }
0x7: {  	s2 =	rddreg [dreg:$0x0]  }
0x8: {  	s5 =	rddreg [dreg:$0x1]  }
0x9: {  	s1 =	rddreg [dreg:$0x2];
	_ =	strace $0x80000047  }
0xa: {  	s6 =	ssub.s32 $0x2, s3;
	s3 =	sadd.s32 $0x1C00, s5;
	s4 =	sadd.s32 $0x1E00, s5  }
0xb: {  	s5 =	sadd.s32 $0x1A00, s5;
	s8 =	simm.s32 $0x1;
	s7 =	sshrl.u32 s6, $0x1  }
0xc: {  	s9 =	simm.s32 $0x400;
	s10 =	simm.s32 $0x500;
	s6 =	ssub.s32 s6, s7  }
0xd: {  	v0 =	vimm.s32 $0x8;
	s11 =	simm.s32 $0x600;
	s7 =	simm.s32 $0x0;
	s6 =	smax.u32 s6, $0x1  }
.LBB2_2:
0xe: {  	[tilespmem:s7], [sflag:$0x1] =	stream.linear.gather [hbm4b:s2+s7], $0x400, $0x38;
	[tilespmem:$0xA00] =	vst v63  }
0xf: {  	_ =	swait.ge [sflag:s8], $0x400  }
0x10: {  	[sflag:s8] =	ssyncset.done $0x0  }
0x11: {  	[sflag:s8] =	ssyncadd.s32 $0xFFFFFC00  }
0x12: {  	v1 =	vld [tilespmem:$0x0]  }
0x13: {  	v2 =	vld [tilespmem:$0x80]  }
0x14: {  	v3 =	vld [tilespmem:$0x100]  }
0x15: {  	v4 =	vld [tilespmem:$0x180]  }
0x16: {  	v5 =	vld [tilespmem:$0x200]  }
0x17: {  	v6 =	vld [tilespmem:$0x280]  }
0x18: {  	v7 =	vld [tilespmem:$0x300];
	v8 =	vmax.f32 v1, v2  }
0x19: {  	v9 =	vld [tilespmem:$0x380];
	v8 =	vmax.f32 v8, v3  }
0x1a: {  	v8 =	vmax.f32 v8, v4  }
0x1b: {  	v8 =	vmax.f32 v8, v5  }
0x1c: {  	v8 =	vmax.f32 v8, v6  }
0x1d: {  	v8 =	vmax.f32 v8, v7  }
0x1e: {  	v8 =	vmax.f32 v8, v9  }
0x1f: {  	vm0 =	veq.f32 v9, v8  }
0x20: {  	vm12 =	veq.f32 v7, v8;
	v10 =	vsel vm0, $0x7, v0  }
0x21: {  	vm13 =	veq.f32 v6, v8;
	v10 =	vsel vm12, $0x6, v10  }
0x22: {  	vm14 =	veq.f32 v5, v8;
	v10 =	vsel vm13, $0x5, v10  }
0x23: {  	vm15 =	veq.f32 v4, v8;
	v10 =	vsel vm14, $0x4, v10  }
0x24: {  	vm4 =	veq.f32 v3, v8;
	v10 =	vsel vm15, $0x3, v10  }
0x25: {  	vm5 =	veq.f32 v2, v8;
	v10 =	vsel vm4, $0x2, v10  }
0x26: {  	vm15 =	vne.f32 v1, v8;
	v10 =	vsel vm5, $0x1, v10  }
0x27: {  	vm13 =	vmand vm15, vm5;
	v10 =	vnsel vm15, $0x0, v10  }
0x28: {  	v12 =	vld [tilespmem:$0x10];
	v1 =	vnsel vm15, $0xFF800000, v1;
	v2 =	vsel vm13, $0xFF800000, v2;
	vm14 =	veq.s32 v10, $0x2  }
0x29: {  	v13 =	vld [tilespmem:$0x90];
	v11 =	vmax.f32 v1, v2;
	vm12 =	veq.s32 v10, $0x3;
	v3 =	vsel vm14, $0xFF800000, v3  }
0x2a: {  	v14 =	vld [tilespmem:$0x110];
	vm9 =	veq.s32 v10, $0x4;
	v4 =	vsel vm12, $0xFF800000, v4;
	v11 =	vmax.f32 v11, v3  }
0x2b: {  	v15 =	vld [tilespmem:$0x190];
	vm8 =	veq.s32 v10, $0x5;
	v5 =	vsel vm9, $0xFF800000, v5;
	v11 =	vmax.f32 v11, v4  }
0x2c: {  	v16 =	vld [tilespmem:$0x210];
	vm2 =	veq.s32 v10, $0x6;
	v6 =	vsel vm8, $0xFF800000, v6;
	v11 =	vmax.f32 v11, v5  }
0x2d: {  	v17 =	vld [tilespmem:$0x290];
	vm4 =	veq.s32 v10, $0x7;
	v7 =	vsel vm2, $0xFF800000, v7;
	v11 =	vmax.f32 v11, v6  }
0x2e: {  	v18 =	vld [tilespmem:$0x310];
	v19 =	vmax.f32 v12, v13;
	v9 =	vsel vm4, $0xFF800000, v9;
	v11 =	vmax.f32 v11, v7  }
0x2f: {  	v20 =	vld [tilespmem:$0x390];
	v19 =	vmax.f32 v19, v14;
	v11 =	vmax.f32 v11, v9  }
0x30: {  	v19 =	vmax.f32 v19, v15;
	v8 =	vsub.f32 v11, v8  }
0x31: {  	v19 =	vmax.f32 v19, v16  }
0x32: {  	v19 =	vmax.f32 v19, v17;
	v8 =	vmul.f32 $1.442695020e+00, v8  }
0x33: {  	v26 =	vmax.f32 v19, v18  }
0x34: {  	(erf) = vpow2.f32 v8;
	v8 =	vmax.f32 v26, v20  }
0x35: {  	vm6 =	veq.f32 v20, v8  }
0x36: {  	vm7 =	veq.f32 v18, v8;
	v27 =	vsel vm6, $0x7, v0  }
0x37: {  	vm10 =	veq.f32 v17, v8;
	v19 =	vsel vm7, $0x6, v27  }
0x38: {  	vm11 =	veq.f32 v16, v8;
	v19 =	vsel vm10, $0x5, v19  }
0x39: {  	vm5 =	veq.f32 v15, v8;
	v19 =	vsel vm11, $0x4, v19  }
0x3a: {  	vm6 =	veq.f32 v14, v8;
	v19 =	vsel vm5, $0x3, v19  }
0x3b: {  	vm7 =	veq.f32 v13, v8;
	vm11 =	vne.f32 v12, v8;
	v19 =	vsel vm6, $0x2, v19  }
0x3c: {  	vm10 =	vmand vm11, vm7;
	v19 =	vsel vm7, $0x1, v19  }
0x3d: {  	v12 =	vnsel vm11, $0xFF800000, v12;
	v13 =	vsel vm10, $0xFF800000, v13;
	v19 =	vnsel vm11, $0x0, v19  }
0x3e: {  	v23 =	vmax.f32 v12, v13;
	v21 =	vpop (erf);
	vm7 =	veq.s32 v19, $0x2  }
0x3f: {  	v22 =	vadd.f32 $1.000000000e+00, v21;
	vm6 =	veq.s32 v19, $0x3;
	v14 =	vsel vm7, $0xFF800000, v14  }
0x40: {  	vm5 =	veq.s32 v19, $0x4;
	v15 =	vsel vm6, $0xFF800000, v15;
	v23 =	vmax.f32 v23, v14  }
0x41: {  	vm3 =	veq.s32 v19, $0x5;
	v16 =	vsel vm5, $0xFF800000, v16;
	v23 =	vmax.f32 v23, v15  }
0x42: {  	vm1 =	veq.s32 v19, $0x6;
	v17 =	vsel vm3, $0xFF800000, v17;
	v23 =	vmax.f32 v23, v16  }
0x43: {  	vm0 =	veq.s32 v19, $0x7;
	v18 =	vsel vm1, $0xFF800000, v18;
	v23 =	vmax.f32 v23, v17  }
0x44: {  	v20 =	vsel vm0, $0xFF800000, v20;
	(erf) = vrcp.f32 v22;
	v23 =	vmax.f32 v23, v18  }
0x45: {  	v28 =	vmax.f32 v23, v20  }
0x46: {  	v8 =	vsub.f32 v28, v8  }
0x47: {  	v24 =	vimm.s32 $0x0  }
0x48: {  	v24 =	vsel vm0, $0xFFFFFFFF, v24;
	vm0 =	veq.f32 v9, v11;
	v8 =	vmul.f32 $1.442695020e+00, v8  }
0x49: {  	v9 =	vsel vm0, $0x7, v0;
	vm0 =	veq.f32 v7, v11  }
0x4a: {  	v7 =	vsel vm0, $0x6, v9;
	vm0 =	veq.f32 v6, v11;
	(erf) = vpow2.f32 v8  }
0x4b: {  	v6 =	vsel vm0, $0x5, v7;
	vm0 =	veq.f32 v5, v11  }
0x4c: {  	v5 =	vsel vm0, $0x4, v6;
	vm0 =	veq.f32 v4, v11  }
0x4d: {  	v4 =	vsel vm0, $0x3, v5;
	vm0 =	veq.f32 v3, v11;
	v29 =	vpop (erf)  }
0x4e: {  	v3 =	vsel vm0, $0x2, v4;
	vm0 =	veq.f32 v2, v11;
	v30 =	vmul.f32 v29, v21  }
0x4f: {  	v3 =	vsel vm0, $0x1, v3;
	v2 =	vsel vm15, $0x0, v29;
	vm15 =	vne.f32 v1, v11  }
0x50: {  	v1 =	vnsel vm15, $0x0, v3;
	v3 =	vsel vm15, $0x0, v30;
	_ =	sdelay $0x2  }
0x51: {  	v2 =	vadd.f32 v3, v2;
	v3 =	vpop (erf)  }
0x52: {  	v31 =	vnsel vm13, $0x0, v29;
	v33 =	vnsel vm14, $0x0, v29;
	v36 =	vadd.f32 $1.000000000e+00, v3  }
0x53: {  	v35 =	vnsel vm12, $0x0, v29;
	v39 =	vnsel vm9, $0x0, v29;
	vm12 =	veq.f32 v20, v28  }
0x54: {  	v46 =	vnsel vm2, $0x0, v29;
	v5 =	vnsel vm4, $0x0, v29;
	(erf) = vrcp.f32 v36  }
0x55: {  	vm4 =	veq.f32 v14, v28;
	vm0 =	vmand vm15, vm0;
	v42 =	vsel vm12, $0x7, v0  }
0x56: {  	vm12 =	veq.f32 v16, v28;
	v32 =	vnsel vm0, $0x0, v30;
	vm13 =	veq.s32 v1, $0x2  }
0x57: {  	[tilespmem:$0x400] =	vst v10;
	vm15 =	veq.s32 v1, $0x3;
	vm9 =	veq.s32 v1, $0x4;
	vm14 =	veq.s32 v1, $0x5  }
0x58: {  	[tilespmem:$0x410] =	vst v19;
	v34 =	vnsel vm13, $0x0, v30;
	v37 =	vnsel vm15, $0x0, v30;
	v6 =	vadd.f32 v32, v31  }
0x59: {  	[tilespmem:$0x1FFF0] =	vst v24;
	v41 =	vnsel vm9, $0x0, v30;
	vm13 =	veq.f32 v18, v28;
	vm15 =	veq.f32 v17, v28  }
0x5a: {  	[tilespmem:$0x500] =	vst v29;
	v44 =	vnsel vm14, $0x0, v30;
	vm14 =	veq.s32 v1, $0x7;
	vm9 =	vne.f32 v12, v28  }
0x5b: {  	v38 =	vadd.f32 v34, v33;
	v43 =	vsel vm13, $0x6, v42;
	[tilespmem:$0x600] =	vst v2;
	v2 =	vnsel vm8, $0x0, v29  }
0x5c: {  	vm13 =	veq.s32 v1, $0x6;
	[tilespmem:$0x680] =	vst v6;
	v6 =	vsel vm15, $0x5, v43;
	v2 =	vadd.f32 v44, v2  }
0x5d: {  	[tilespmem:$0x480] =	vst v1;
	v1 =	vnsel vm13, $0x0, v30;
	vm15 =	veq.f32 v15, v28;
	v6 =	vsel vm12, $0x4, v6;
	v48 =	vpop (erf)  }
0x5e: {  	v1 =	vadd.f32 v1, v46;
	v6 =	vsel vm15, $0x3, v6;
	[tilespmem:$0x880] =	vst v2;
	v2 =	vmul.f32 v48, v3  }
0x5f: {  	[tilespmem:$0x580] =	vst v30;
	v40 =	vadd.f32 v37, v35;
	vm8 =	veq.f32 v13, v28;
	v47 =	vsel vm4, $0x2, v6  }
0x60: {  	[tilespmem:$0x900] =	vst v1;
	v1 =	vsel vm8, $0x1, v47;
	v3 =	vsel vm11, $0x0, v48;
	v49 =	vsel vm9, $0x0, v2  }
0x61: {  	[tilespmem:$0x700] =	vst v38;
	v1 =	vnsel vm9, $0x0, v1;
	v3 =	vadd.f32 v49, v3  }
0x62: {  	v45 =	vadd.f32 v41, v39;
	v4 =	vnsel vm14, $0x0, v30;
	[tilespmem:$0x780] =	vst v40;
	vm11 =	veq.s32 v1, $0x4  }
0x63: {  	v4 =	vadd.f32 v4, v5;
	v58 =	vnsel vm11, $0x0, v2;
	[tilespmem:$0x610] =	vst v3;
	v3 =	vnsel vm5, $0x0, v48  }
0x64: {  	[tilespmem:$0x800] =	vst v45;
	v3 =	vadd.f32 v58, v3  }
0x65: {  	vm0 =	vmand vm9, vm8;
	[tilespmem:$0x980] =	vst v4;
	vm2 =	veq.s32 v1, $0x3;
	vm12 =	veq.s32 v1, $0x5  }
0x66: {  	vm13 =	veq.s32 v1, $0x6;
	vm14 =	veq.s32 v1, $0x7;
	v50 =	vnsel vm10, $0x0, v48;
	[tilespmem:$0x810] =	vst v3;
	v3 =	vld [tilespmem:$0x1FFF0]  }
0x67: {  	[tilespmem:$0x490] =	vst v1;
	v53 =	vnsel vm7, $0x0, v48;
	vm10 =	veq.s32 v1, $0x2;
	v51 =	vnsel vm0, $0x0, v2  }
0x68: {  	[tilespmem:$0x510] =	vst v48;
	v55 =	vnsel vm6, $0x0, v48;
	v54 =	vnsel vm10, $0x0, v2;
	v52 =	vadd.f32 v51, v50  }
0x69: {  	v59 =	vnsel vm3, $0x0, v48;
	v56 =	vnsel vm2, $0x0, v2;
	[tilespmem:$0x590] =	vst v2;
	v5 =	vadd.f32 v54, v53  }
0x6a: {  	v62 =	vnsel vm1, $0x0, v48;
	v60 =	vnsel vm12, $0x0, v2;
	v57 =	vadd.f32 v56, v55;
	[tilespmem:$0x690] =	vst v52  }
0x6b: {  	v63 =	vnsel vm13, $0x0, v2;
	v61 =	vadd.f32 v60, v59;
	[tilespmem:$0x710] =	vst v5;
	vm15 =	vnez.u8 v3  }
0x6c: {  	v2 =	vnsel vm14, $0x0, v2;
	v1 =	vadd.f32 v63, v62;
	[tilespmem:$0x790] =	vst v57;
	v3 =	vnsel vm15, $0x0, v48  }
0x6d: {  	[tilespmem:$0x890] =	vst v61;
	v2 =	vadd.f32 v2, v3  }
0x6e: {  	[tilespmem:$0x910] =	vst v1  }
0x6f: {  	[tilespmem:$0x990] =	vst v2  }
0x70: {  	[hbm4b:s3+s7] =	stream.linear.scatter [tilespmem:s9], [sflag:$0x1], $0x100, $0x38;
	[tilespmem:$0xA00] =	vst v63  }
0x71: {  	_ =	swait.ge [sflag:s8], $0x100  }
0x72: {  	[sflag:s8] =	ssyncset.done $0x0  }
0x73: {  	[sflag:s8] =	ssyncadd.s32 $0xFFFFFF00  }
0x74: {  	[hbm4b:s4+s7] =	stream.linear.scatter [tilespmem:s10], [sflag:$0x1], $0x100, $0x38;
	[tilespmem:$0xA00] =	vst v63  }
0x75: {  	_ =	swait.ge [sflag:s8], $0x100  }
0x76: {  	p0 =	sne.s32 s6, $0x1;
	[sflag:s8] =	ssyncset.done $0x0  }
.Ltmp1:
0x77: {  	[sflag:s8] =	ssyncadd.s32 $0xFFFFFF00;
	(pc) =	sbr.rel @p0 .LBB2_2-.Ltmp1, $4  }
0x78: {  	[hbm4b:s5+s7] =	stream.linear.scatter [tilespmem:s11], [sflag:$0x1], $0x400, $0x38;
	[tilespmem:$0xA00] =	vst v63  }
0x79: {  	_ =	swait.ge [sflag:s8], $0x400  }
0x7a: {  	[sflag:s8] =	ssyncset.done $0x0  }
0x7b: {  	s6 =	sadd.s32 $0xFFFFFFFF, s6;
	[sflag:s8] =	ssyncadd.s32 $0xFFFFFC00  }
.LBB2_3:
0x7c: {  	_ =	sfence.sel $0x180000  }
0x7d: {  	[bflag:$0x0] =	sbarrier.arrive $0xFFFF  }
0x7e: {  	p0 =	sne.s32 s0, $0x0;
	_ =	strace $0x90000047  }
0x7f: {  	s0 =	sadd.s32 @!p0 $0x100000, s1;
	[bflag:$0x2] =	sbarrier.arrive $0xFFFF  }
0x80: {  	[sflag:s0] =	ssyncadd.tile.s32 @!p0 $0x1;
	_ =	shalt  }
.Lfunc_end2:
_tile_overlayer_lowered:
.L_overlay_start_2:
0x81: {  	(tag) =	ssettag $0x2  }
0x82: {  	s0 =	rddreg [dreg:$0x0];
	s2 =	stileid.u32  }
0x83: {  	s1 =	rddreg [dreg:$0x1];
	p0 =	sne.s32 s2, $0x0  }
0x84: {  	s3 =	rddreg [dreg:$0x2];
	[bflag:$0x3] =	sbarrier.arrive $0xFFFF;
	s2 =	simm.s32 @!p0 $0x1C01  }
0x85: {  	[timem:s3], [sflag:s2] =	dma.local @!p0 [hbm:s0], s1  }
0x86: {  	s0 =	simm.s32 @!p0 $0x1  }
0x87: {  	_ =	swait.ge @!p0 [sflag:s0], s1  }
0x88: {  	s1 =	ssub.s32 @!p0 $0x0, s1;
	[sflag:s0] =	ssyncset.done @!p0 $0x0  }
0x89: {  	[sflag:s0] =	ssyncadd.s32 @!p0 s1  }
0x8a: {  	[bflag:$0x3] =	sbarrier.arrive $0xFFFF  }
0x8b: {  	_ =	shalt  }

</sc_bundles>
